<compile_context>
chip_gen: v7x
topology: tpu7x:2x2x1
jax: 0.10.2.dev20260603
libtpu: 0.0.44.dev20260713+nightly
codegen_flags: <defaults>
</compile_context>

<pallas_src>
import jax
import jax.numpy as jnp
from jax import lax
from jax.experimental import pallas as pl
from jax.experimental.pallas import tpu as pltpu
from jax.experimental.pallas import tpu_sc as plsc

_B2, _H, _S, _D, _Q = 16, 16, 2048, 128, 8
_BH = _B2 * _H
_ROWS = _BH * _S

_SC_BH = 128
_TC_BH = _BH - _SC_BH

_BH_BLK = 16


def _tc_fill_body(nbh, idx_ref, k_ref, ko_ref):
    ko_ref[...] = jnp.zeros_like(ko_ref)
    for b in range(nbh):
        for i in range(_Q):
            s = idx_ref[i]
            ko_ref[pl.ds(b * _S + s, 1), :] = k_ref[pl.ds(b * _Q + i, 1), :]


def _tc_fill_k(kf, idx):
    def body(idx_ref, k_ref, ko_ref):
        _tc_fill_body(_BH_BLK, idx_ref, k_ref, ko_ref)
    return pl.pallas_call(
        body,
        grid=(_BH // _BH_BLK,),
        in_specs=[
            pl.BlockSpec(memory_space=pltpu.MemorySpace.SMEM),
            pl.BlockSpec((_BH_BLK * _Q, _D), lambda i: (i, 0)),
        ],
        out_specs=pl.BlockSpec((_BH_BLK * _S, _D), lambda i: (i, 0)),
        out_shape=jax.ShapeDtypeStruct((_ROWS, _D), jnp.float32),
    )(idx, kf)


def _tc_finish_v(vf, idx, v_sc):
    off = _SC_BH // _BH_BLK

    def body(idx_ref, v_ref, alias_ref, vo_ref):
        _tc_fill_body(_BH_BLK, idx_ref, v_ref, vo_ref)

    return pl.pallas_call(
        body,
        grid=(_TC_BH // _BH_BLK,),
        in_specs=[
            pl.BlockSpec(memory_space=pltpu.MemorySpace.SMEM),
            pl.BlockSpec((_BH_BLK * _Q, _D), lambda i: (i + off, 0)),
            pl.BlockSpec(memory_space=pltpu.MemorySpace.HBM),
        ],
        out_specs=pl.BlockSpec((_BH_BLK * _S, _D), lambda i: (i + off, 0)),
        out_shape=jax.ShapeDtypeStruct((_ROWS, _D), jnp.float32),
        input_output_aliases={2: 0},
    )(idx, vf, v_sc)


_NC, _NS = 2, 16
_NW = _NC * _NS
_BH_W = _SC_BH // _NW
_RPW = _BH_W * _S
_ZROWS = 256
_NCHUNK = _RPW // _ZROWS
_DEPTH = 8


def _sc_fill_kernel(v_hbm, idx_hbm, out_hbm, zbuf, vrows, idxv, destv,
                    zsem, ssem):
    wid = lax.axis_index("s") * _NC + lax.axis_index("c")

    def _zrow(i, c):
        for j in range(_D // 16):
            zbuf[i, pl.ds(j * 16, 16)] = jnp.zeros((16,), jnp.float32)
        return c
    lax.fori_loop(0, _ZROWS, _zrow, 0)

    base_row = wid * _RPW
    handles = []
    for i in range(_NCHUNK):
        h = pltpu.async_copy(
            zbuf, out_hbm.at[pl.ds(base_row + i * _ZROWS, _ZROWS)], zsem)
        handles.append(h)
        if i >= _DEPTH:
            handles[i - _DEPTH].wait()
    pltpu.sync_copy(v_hbm.at[pl.ds(wid * (_BH_W * _Q), _BH_W * _Q)], vrows)
    pltpu.sync_copy(idx_hbm, idxv)

    cvals = idxv[...]
    for r in range(_BH_W * _Q // 16):
        lanes = lax.iota(jnp.int32, 16) + r * 16
        bh_local = lanes >> 3
        destv[pl.ds(r * 16, 16)] = (wid * _BH_W + bh_local) * _S + cvals
    for i in range(max(_NCHUNK - _DEPTH, 0), _NCHUNK):
        handles[i].wait()

    pltpu.async_copy(vrows, out_hbm.at[destv], ssem).wait()


def _sc_fill_v(vf_head, idx16):
    fn = pl.kernel(
        _sc_fill_kernel,
        out_type=jax.ShapeDtypeStruct((_ROWS, _D), jnp.float32),
        mesh=plsc.VectorSubcoreMesh(
            core_axis_name="c", subcore_axis_name="s",
            num_cores=_NC, num_subcores=_NS),
        scratch_types=[
            pltpu.VMEM((_ZROWS, _D), jnp.float32),
            pltpu.VMEM((_BH_W * _Q, _D), jnp.float32),
            pltpu.VMEM((16,), jnp.int32),
            pltpu.VMEM((_BH_W * _Q,), jnp.int32),
            pltpu.SemaphoreType.DMA,
            pltpu.SemaphoreType.DMA,
        ],
    )
    return fn(vf_head, idx16)


def kernel(k, v, current_idx, k_cache, v_cache):
    kf = k.reshape(_BH * _Q, _D)
    vf = v.reshape(_BH * _Q, _D)
    idx = current_idx.astype(jnp.int32)
    idx16 = jnp.tile(idx, 16 // _Q)

    v_sc = _sc_fill_v(vf[: _SC_BH * _Q], idx16)
    ko = jnp.zeros((8, _D), jnp.float32)
    vo = _tc_finish_v(vf, idx, v_sc)

    return (ko, vo.reshape(_B2, _H, _S, _D))

# --- scband reference (transcript-rebuilt; emitter-appended) ---
"""Pipeline reference for scband-kvcache-23656679866370 (READ-ONLY COPY).

The authoritative reference and input builder live on the scoring server;
editing this copy changes nothing except your own understanding.
"""

import jax, jax.numpy as jnp
import numpy as np

BATCH_SIZE = 8
NUM_HEADS = 16
MAX_LEN = 2048
HEAD_DIM = 128
Q_LEN = 8


def setup_inputs(seed: int = 0) -> dict:
    key = jax.random.key(seed)
    k1, k2 = jax.random.split(key)
    k = jax.random.normal(k1, (2 * BATCH_SIZE, NUM_HEADS, Q_LEN, HEAD_DIM), dtype=jnp.float32)
    v = jax.random.normal(k2, (2 * BATCH_SIZE, NUM_HEADS, Q_LEN, HEAD_DIM), dtype=jnp.float32)
    current_idx = jnp.arange(Q_LEN, dtype=jnp.int64 if jax.config.jax_enable_x64 else jnp.int32)
    # Cache buffers (registered buffers in the torch module), initialized to zeros
    k_cache = jnp.zeros((2 * BATCH_SIZE, NUM_HEADS, MAX_LEN, HEAD_DIM), dtype=jnp.float32)
    v_cache = jnp.zeros((2 * BATCH_SIZE, NUM_HEADS, MAX_LEN, HEAD_DIM), dtype=jnp.float32)
    return {"k": k, "v": v, "current_idx": current_idx, "k_cache": k_cache, "v_cache": v_cache}


def reference(k, v, current_idx, k_cache, v_cache):
    # Faithful translation of KVCache.update:
    #   self.k[:, :, current_idx, :] = k ; self.v[:, :, current_idx, :] = v
    # scatter-overwrite along the sequence axis of the cache buffers.
    k_out = k_cache.at[:, :, current_idx, :].set(k)
    v_out = v_cache.at[:, :, current_idx, :].set(v)
    return (k_out, v_out)

if __name__ == "__main__":
    import jax
    _d = setup_inputs()
    print(jax.jit(kernel)(*tuple(_d.values())))

</pallas_src>

<mosaic_0001>
#map = affine_map<(d0, d1) -> (0, 0)>
#map1 = affine_map<(d0, d1) -> (0)>
module attributes {stable_mosaic.version = 14 : i64} {
  func.func @_sc_fill_kernel(%arg0: i32, %arg1: i32, %arg2: memref<1024x128xf32, #tpu.memory_space<hbm>>, %arg3: memref<16xi32, #tpu.memory_space<hbm>>, %arg4: memref<524288x128xf32, #tpu.memory_space<hbm>>, %arg5: memref<256x128xf32, #tpu.memory_space<vmem>>, %arg6: memref<32x128xf32, #tpu.memory_space<vmem>>, %arg7: memref<16xi32, #tpu.memory_space<vmem>>, %arg8: memref<32xi32, #tpu.memory_space<vmem>>, %arg9: memref<!tpu.dma_semaphore, #tpu.memory_space<semaphore_mem>>, %arg10: memref<!tpu.dma_semaphore, #tpu.memory_space<semaphore_mem>>) attributes {dimension_semantics = [#tpu.dimension_semantics<core_parallel>, #tpu.dimension_semantics<subcore_parallel>], iteration_bounds = array<i64: 2, 16>, scalar_prefetch = 0 : i64, scratch_operands = 6 : i64, tpu.core_type = #tpu.core_type<sc_vector_subcore>, window_params = [{transform_indices = #map}, {transform_indices = #map1}, {transform_indices = #map}]} {
    %mul3A = arith.constant 2 : i32
    %mul3A_0 = arith.muli %arg1, %mul3A : i32
    %add3A = arith.addi %mul3A_0, %arg0 : i32
    %scan3A = arith.constant 0 : i32
    %scan3A_1 = arith.constant 0 : i32
    %scan3A_2 = arith.constant 256 : i32
    %scan3A_3 = arith.addi %scan3A_1, %scan3A_2 : i32
    %scan3A_4 = arith.constant 1 : i32
    scf.for %scan3A_371 = %scan3A_1 to %scan3A_3 step %scan3A_4  : i32 {
      %broadcast_in_dim3A = arith.constant 0.000000e+00 : f32
      %broadcast_in_dim3A_372 = vector.broadcast %broadcast_in_dim3A : f32 to vector<16xf32>
      %swap3A_373 = arith.index_cast %scan3A_371 : i32 to index
      %swap3A_374 = arith.constant 0 : index
      %swap3A_375 = tpu.vector_load %arg5[%swap3A_373, %swap3A_374] {strides = array<i32>} : memref<256x128xf32, #tpu.memory_space<vmem>>, vector<1x16xf32>,
      %swap3A_376 = vector.shape_cast %swap3A_375 : vector<1x16xf32> to vector<16xf32>
      %swap3A_377 = vector.shape_cast %broadcast_in_dim3A_372 : vector<16xf32> to vector<1x16xf32>
      tpu.vector_store %arg5[%swap3A_373, %swap3A_374], %swap3A_377 {strides = array<i32>} : memref<256x128xf32, #tpu.memory_space<vmem>>, vector<1x16xf32>,
      %broadcast_in_dim3A_378 = arith.constant 0.000000e+00 : f32
      %broadcast_in_dim3A_379 = vector.broadcast %broadcast_in_dim3A_378 : f32 to vector<16xf32>
      %swap3A_380 = arith.index_cast %scan3A_371 : i32 to index
      %swap3A_381 = arith.constant 16 : index
      %swap3A_382 = tpu.vector_load %arg5[%swap3A_380, %swap3A_381] {strides = array<i32>} : memref<256x128xf32, #tpu.memory_space<vmem>>, vector<1x16xf32>,
      %swap3A_383 = vector.shape_cast %swap3A_382 : vector<1x16xf32> to vector<16xf32>
      %swap3A_384 = vector.shape_cast %broadcast_in_dim3A_379 : vector<16xf32> to vector<1x16xf32>
      tpu.vector_store %arg5[%swap3A_380, %swap3A_381], %swap3A_384 {strides = array<i32>} : memref<256x128xf32, #tpu.memory_space<vmem>>, vector<1x16xf32>,
      %broadcast_in_dim3A_385 = arith.constant 0.000000e+00 : f32
      %broadcast_in_dim3A_386 = vector.broadcast %broadcast_in_dim3A_385 : f32 to vector<16xf32>
      %swap3A_387 = arith.index_cast %scan3A_371 : i32 to index
      %swap3A_388 = arith.constant 32 : index
      %swap3A_389 = tpu.vector_load %arg5[%swap3A_387, %swap3A_388] {strides = array<i32>} : memref<256x128xf32, #tpu.memory_space<vmem>>, vector<1x16xf32>,
      %swap3A_390 = vector.shape_cast %swap3A_389 : vector<1x16xf32> to vector<16xf32>
      %swap3A_391 = vector.shape_cast %broadcast_in_dim3A_386 : vector<16xf32> to vector<1x16xf32>
      tpu.vector_store %arg5[%swap3A_387, %swap3A_388], %swap3A_391 {strides = array<i32>} : memref<256x128xf32, #tpu.memory_space<vmem>>, vector<1x16xf32>,
      %broadcast_in_dim3A_392 = arith.constant 0.000000e+00 : f32
      %broadcast_in_dim3A_393 = vector.broadcast %broadcast_in_dim3A_392 : f32 to vector<16xf32>
      %swap3A_394 = arith.index_cast %scan3A_371 : i32 to index
      %swap3A_395 = arith.constant 48 : index
      %swap3A_396 = tpu.vector_load %arg5[%swap3A_394, %swap3A_395] {strides = array<i32>} : memref<256x128xf32, #tpu.memory_space<vmem>>, vector<1x16xf32>,
      %swap3A_397 = vector.shape_cast %swap3A_396 : vector<1x16xf32> to vector<16xf32>
      %swap3A_398 = vector.shape_cast %broadcast_in_dim3A_393 : vector<16xf32> to vector<1x16xf32>
      tpu.vector_store %arg5[%swap3A_394, %swap3A_395], %swap3A_398 {strides = array<i32>} : memref<256x128xf32, #tpu.memory_space<vmem>>, vector<1x16xf32>,
      %broadcast_in_dim3A_399 = arith.constant 0.000000e+00 : f32
      %broadcast_in_dim3A_400 = vector.broadcast %broadcast_in_dim3A_399 : f32 to vector<16xf32>
      %swap3A_401 = arith.index_cast %scan3A_371 : i32 to index
      %swap3A_402 = arith.constant 64 : index
      %swap3A_403 = tpu.vector_load %arg5[%swap3A_401, %swap3A_402] {strides = array<i32>} : memref<256x128xf32, #tpu.memory_space<vmem>>, vector<1x16xf32>,
      %swap3A_404 = vector.shape_cast %swap3A_403 : vector<1x16xf32> to vector<16xf32>
      %swap3A_405 = vector.shape_cast %broadcast_in_dim3A_400 : vector<16xf32> to vector<1x16xf32>
      tpu.vector_store %arg5[%swap3A_401, %swap3A_402], %swap3A_405 {strides = array<i32>} : memref<256x128xf32, #tpu.memory_space<vmem>>, vector<1x16xf32>,
      %broadcast_in_dim3A_406 = arith.constant 0.000000e+00 : f32
      %broadcast_in_dim3A_407 = vector.broadcast %broadcast_in_dim3A_406 : f32 to vector<16xf32>
      %swap3A_408 = arith.index_cast %scan3A_371 : i32 to index
      %swap3A_409 = arith.constant 80 : index
      %swap3A_410 = tpu.vector_load %arg5[%swap3A_408, %swap3A_409] {strides = array<i32>} : memref<256x128xf32, #tpu.memory_space<vmem>>, vector<1x16xf32>,
      %swap3A_411 = vector.shape_cast %swap3A_410 : vector<1x16xf32> to vector<16xf32>
      %swap3A_412 = vector.shape_cast %broadcast_in_dim3A_407 : vector<16xf32> to vector<1x16xf32>
      tpu.vector_store %arg5[%swap3A_408, %swap3A_409], %swap3A_412 {strides = array<i32>} : memref<256x128xf32, #tpu.memory_space<vmem>>, vector<1x16xf32>,
      %broadcast_in_dim3A_413 = arith.constant 0.000000e+00 : f32
      %broadcast_in_dim3A_414 = vector.broadcast %broadcast_in_dim3A_413 : f32 to vector<16xf32>
      %swap3A_415 = arith.index_cast %scan3A_371 : i32 to index
      %swap3A_416 = arith.constant 96 : index
      %swap3A_417 = tpu.vector_load %arg5[%swap3A_415, %swap3A_416] {strides = array<i32>} : memref<256x128xf32, #tpu.memory_space<vmem>>, vector<1x16xf32>,
      %swap3A_418 = vector.shape_cast %swap3A_417 : vector<1x16xf32> to vector<16xf32>
      %swap3A_419 = vector.shape_cast %broadcast_in_dim3A_414 : vector<16xf32> to vector<1x16xf32>
      tpu.vector_store %arg5[%swap3A_415, %swap3A_416], %swap3A_419 {strides = array<i32>} : memref<256x128xf32, #tpu.memory_space<vmem>>, vector<1x16xf32>,
      %broadcast_in_dim3A_420 = arith.constant 0.000000e+00 : f32
      %broadcast_in_dim3A_421 = vector.broadcast %broadcast_in_dim3A_420 : f32 to vector<16xf32>
      %swap3A_422 = arith.index_cast %scan3A_371 : i32 to index
      %swap3A_423 = arith.constant 112 : index
      %swap3A_424 = tpu.vector_load %arg5[%swap3A_422, %swap3A_423] {strides = array<i32>} : memref<256x128xf32, #tpu.memory_space<vmem>>, vector<1x16xf32>,
      %swap3A_425 = vector.shape_cast %swap3A_424 : vector<1x16xf32> to vector<16xf32>
      %swap3A_426 = vector.shape_cast %broadcast_in_dim3A_421 : vector<16xf32> to vector<1x16xf32>
      tpu.vector_store %arg5[%swap3A_422, %swap3A_423], %swap3A_426 {strides = array<i32>} : memref<256x128xf32, #tpu.memory_space<vmem>>, vector<1x16xf32>,
    }
    %scan3A_5 = arith.constant 256 : i32
    %mul3A_6 = arith.constant 8192 : i32
    %mul3A_7 = arith.muli %add3A, %mul3A_6 : i32
    %add3A_8 = arith.constant 0 : i32
    %add3A_9 = arith.addi %mul3A_7, %add3A_8 : i32
    %dma_start3A = arith.constant 0 : i32
    %dma_start3A_10 = tpu.memref_slice %arg4[%add3A_9, %dma_start3A] : memref<524288x128xf32, #tpu.memory_space<hbm>> -> memref<256x128xf32, #tpu.memory_space<hbm>>
    %dma_start3A_11 = arith.constant 0 : i32
    %dma_start3A_12 = tpu.memref_slice %arg4[%add3A_9, %dma_start3A_11] : memref<524288x128xf32, #tpu.memory_space<hbm>> -> memref<256x128xf32, #tpu.memory_space<hbm>>
    tpu.enqueue_dma source(%arg5 : memref<256x128xf32, #tpu.memory_space<vmem>>) target(%dma_start3A_12 : memref<256x128xf32, #tpu.memory_space<hbm>>) target_semaphore(%arg9 : memref<!tpu.dma_semaphore, #tpu.memory_space<semaphore_mem>>)
    %add3A_13 = arith.constant 256 : i32
    %add3A_14 = arith.addi %mul3A_7, %add3A_13 : i32
    %dma_start3A_15 = arith.constant 0 : i32
    %dma_start3A_16 = tpu.memref_slice %arg4[%add3A_14, %dma_start3A_15] : memref<524288x128xf32, #tpu.memory_space<hbm>> -> memref<256x128xf32, #tpu.memory_space<hbm>>
    %dma_start3A_17 = arith.constant 0 : i32
    %dma_start3A_18 = tpu.memref_slice %arg4[%add3A_14, %dma_start3A_17] : memref<524288x128xf32, #tpu.memory_space<hbm>> -> memref<256x128xf32, #tpu.memory_space<hbm>>
    tpu.enqueue_dma source(%arg5 : memref<256x128xf32, #tpu.memory_space<vmem>>) target(%dma_start3A_18 : memref<256x128xf32, #tpu.memory_space<hbm>>) target_semaphore(%arg9 : memref<!tpu.dma_semaphore, #tpu.memory_space<semaphore_mem>>)
    %add3A_19 = arith.constant 512 : i32
    %add3A_20 = arith.addi %mul3A_7, %add3A_19 : i32
    %dma_start3A_21 = arith.constant 0 : i32
    %dma_start3A_22 = tpu.memref_slice %arg4[%add3A_20, %dma_start3A_21] : memref<524288x128xf32, #tpu.memory_space<hbm>> -> memref<256x128xf32, #tpu.memory_space<hbm>>
    %dma_start3A_23 = arith.constant 0 : i32
    %dma_start3A_24 = tpu.memref_slice %arg4[%add3A_20, %dma_start3A_23] : memref<524288x128xf32, #tpu.memory_space<hbm>> -> memref<256x128xf32, #tpu.memory_space<hbm>>
    tpu.enqueue_dma source(%arg5 : memref<256x128xf32, #tpu.memory_space<vmem>>) target(%dma_start3A_24 : memref<256x128xf32, #tpu.memory_space<hbm>>) target_semaphore(%arg9 : memref<!tpu.dma_semaphore, #tpu.memory_space<semaphore_mem>>)
    %add3A_25 = arith.constant 768 : i32
    %add3A_26 = arith.addi %mul3A_7, %add3A_25 : i32
    %dma_start3A_27 = arith.constant 0 : i32
    %dma_start3A_28 = tpu.memref_slice %arg4[%add3A_26, %dma_start3A_27] : memref<524288x128xf32, #tpu.memory_space<hbm>> -> memref<256x128xf32, #tpu.memory_space<hbm>>
    %dma_start3A_29 = arith.constant 0 : i32
    %dma_start3A_30 = tpu.memref_slice %arg4[%add3A_26, %dma_start3A_29] : memref<524288x128xf32, #tpu.memory_space<hbm>> -> memref<256x128xf32, #tpu.memory_space<hbm>>
    tpu.enqueue_dma source(%arg5 : memref<256x128xf32, #tpu.memory_space<vmem>>) target(%dma_start3A_30 : memref<256x128xf32, #tpu.memory_space<hbm>>) target_semaphore(%arg9 : memref<!tpu.dma_semaphore, #tpu.memory_space<semaphore_mem>>)
    %add3A_31 = arith.constant 1024 : i32
    %add3A_32 = arith.addi %mul3A_7, %add3A_31 : i32
    %dma_start3A_33 = arith.constant 0 : i32
    %dma_start3A_34 = tpu.memref_slice %arg4[%add3A_32, %dma_start3A_33] : memref<524288x128xf32, #tpu.memory_space<hbm>> -> memref<256x128xf32, #tpu.memory_space<hbm>>
    %dma_start3A_35 = arith.constant 0 : i32
    %dma_start3A_36 = tpu.memref_slice %arg4[%add3A_32, %dma_start3A_35] : memref<524288x128xf32, #tpu.memory_space<hbm>> -> memref<256x128xf32, #tpu.memory_space<hbm>>
    tpu.enqueue_dma source(%arg5 : memref<256x128xf32, #tpu.memory_space<vmem>>) target(%dma_start3A_36 : memref<256x128xf32, #tpu.memory_space<hbm>>) target_semaphore(%arg9 : memref<!tpu.dma_semaphore, #tpu.memory_space<semaphore_mem>>)
    %add3A_37 = arith.constant 1280 : i32
    %add3A_38 = arith.addi %mul3A_7, %add3A_37 : i32
    %dma_start3A_39 = arith.constant 0 : i32
    %dma_start3A_40 = tpu.memref_slice %arg4[%add3A_38, %dma_start3A_39] : memref<524288x128xf32, #tpu.memory_space<hbm>> -> memref<256x128xf32, #tpu.memory_space<hbm>>
    %dma_start3A_41 = arith.constant 0 : i32
    %dma_start3A_42 = tpu.memref_slice %arg4[%add3A_38, %dma_start3A_41] : memref<524288x128xf32, #tpu.memory_space<hbm>> -> memref<256x128xf32, #tpu.memory_space<hbm>>
    tpu.enqueue_dma source(%arg5 : memref<256x128xf32, #tpu.memory_space<vmem>>) target(%dma_start3A_42 : memref<256x128xf32, #tpu.memory_space<hbm>>) target_semaphore(%arg9 : memref<!tpu.dma_semaphore, #tpu.memory_space<semaphore_mem>>)
    %add3A_43 = arith.constant 1536 : i32
    %add3A_44 = arith.addi %mul3A_7, %add3A_43 : i32
    %dma_start3A_45 = arith.constant 0 : i32
    %dma_start3A_46 = tpu.memref_slice %arg4[%add3A_44, %dma_start3A_45] : memref<524288x128xf32, #tpu.memory_space<hbm>> -> memref<256x128xf32, #tpu.memory_space<hbm>>
    %dma_start3A_47 = arith.constant 0 : i32
    %dma_start3A_48 = tpu.memref_slice %arg4[%add3A_44, %dma_start3A_47] : memref<524288x128xf32, #tpu.memory_space<hbm>> -> memref<256x128xf32, #tpu.memory_space<hbm>>
    tpu.enqueue_dma source(%arg5 : memref<256x128xf32, #tpu.memory_space<vmem>>) target(%dma_start3A_48 : memref<256x128xf32, #tpu.memory_space<hbm>>) target_semaphore(%arg9 : memref<!tpu.dma_semaphore, #tpu.memory_space<semaphore_mem>>)
    %add3A_49 = arith.constant 1792 : i32
    %add3A_50 = arith.addi %mul3A_7, %add3A_49 : i32
    %dma_start3A_51 = arith.constant 0 : i32
    %dma_start3A_52 = tpu.memref_slice %arg4[%add3A_50, %dma_start3A_51] : memref<524288x128xf32, #tpu.memory_space<hbm>> -> memref<256x128xf32, #tpu.memory_space<hbm>>
    %dma_start3A_53 = arith.constant 0 : i32
    %dma_start3A_54 = tpu.memref_slice %arg4[%add3A_50, %dma_start3A_53] : memref<524288x128xf32, #tpu.memory_space<hbm>> -> memref<256x128xf32, #tpu.memory_space<hbm>>
    tpu.enqueue_dma source(%arg5 : memref<256x128xf32, #tpu.memory_space<vmem>>) target(%dma_start3A_54 : memref<256x128xf32, #tpu.memory_space<hbm>>) target_semaphore(%arg9 : memref<!tpu.dma_semaphore, #tpu.memory_space<semaphore_mem>>)
    %add3A_55 = arith.constant 2048 : i32
    %add3A_56 = arith.addi %mul3A_7, %add3A_55 : i32
    %dma_start3A_57 = arith.constant 0 : i32
    %dma_start3A_58 = tpu.memref_slice %arg4[%add3A_56, %dma_start3A_57] : memref<524288x128xf32, #tpu.memory_space<hbm>> -> memref<256x128xf32, #tpu.memory_space<hbm>>
    %dma_start3A_59 = arith.constant 0 : i32
    %dma_start3A_60 = tpu.memref_slice %arg4[%add3A_56, %dma_start3A_59] : memref<524288x128xf32, #tpu.memory_space<hbm>> -> memref<256x128xf32, #tpu.memory_space<hbm>>
    tpu.enqueue_dma source(%arg5 : memref<256x128xf32, #tpu.memory_space<vmem>>) target(%dma_start3A_60 : memref<256x128xf32, #tpu.memory_space<hbm>>) target_semaphore(%arg9 : memref<!tpu.dma_semaphore, #tpu.memory_space<semaphore_mem>>)
    %dma_wait3A = arith.constant 0 : i32
    %dma_wait3A_61 = tpu.memref_slice %arg4[%add3A_9, %dma_wait3A] : memref<524288x128xf32, #tpu.memory_space<hbm>> -> memref<256x128xf32, #tpu.memory_space<hbm>>
    %dma_wait3A_62 = arith.constant 0 : i32
    %dma_wait3A_63 = tpu.memref_slice %arg4[%add3A_9, %dma_wait3A_62] : memref<524288x128xf32, #tpu.memory_space<hbm>> -> memref<256x128xf32, #tpu.memory_space<hbm>>
    tpu.wait_dma2 semaphore(%arg9 : memref<!tpu.dma_semaphore, #tpu.memory_space<semaphore_mem>>) src(%arg5 : memref<256x128xf32, #tpu.memory_space<vmem>>) dst(%dma_wait3A_63 : memref<256x128xf32, #tpu.memory_space<hbm>>)
    %add3A_64 = arith.constant 2304 : i32
    %add3A_65 = arith.addi %mul3A_7, %add3A_64 : i32
    %dma_start3A_66 = arith.constant 0 : i32
    %dma_start3A_67 = tpu.memref_slice %arg4[%add3A_65, %dma_start3A_66] : memref<524288x128xf32, #tpu.memory_space<hbm>> -> memref<256x128xf32, #tpu.memory_space<hbm>>
    %dma_start3A_68 = arith.constant 0 : i32
    %dma_start3A_69 = tpu.memref_slice %arg4[%add3A_65, %dma_start3A_68] : memref<524288x128xf32, #tpu.memory_space<hbm>> -> memref<256x128xf32, #tpu.memory_space<hbm>>
    tpu.enqueue_dma source(%arg5 : memref<256x128xf32, #tpu.memory_space<vmem>>) target(%dma_start3A_69 : memref<256x128xf32, #tpu.memory_space<hbm>>) target_semaphore(%arg9 : memref<!tpu.dma_semaphore, #tpu.memory_space<semaphore_mem>>)
    %dma_wait3A_70 = arith.constant 0 : i32
    %dma_wait3A_71 = tpu.memref_slice %arg4[%add3A_14, %dma_wait3A_70] : memref<524288x128xf32, #tpu.memory_space<hbm>> -> memref<256x128xf32, #tpu.memory_space<hbm>>
    %dma_wait3A_72 = arith.constant 0 : i32
    %dma_wait3A_73 = tpu.memref_slice %arg4[%add3A_14, %dma_wait3A_72] : memref<524288x128xf32, #tpu.memory_space<hbm>> -> memref<256x128xf32, #tpu.memory_space<hbm>>
    tpu.wait_dma2 semaphore(%arg9 : memref<!tpu.dma_semaphore, #tpu.memory_space<semaphore_mem>>) src(%arg5 : memref<256x128xf32, #tpu.memory_space<vmem>>) dst(%dma_wait3A_73 : memref<256x128xf32, #tpu.memory_space<hbm>>)
    %add3A_74 = arith.constant 2560 : i32
    %add3A_75 = arith.addi %mul3A_7, %add3A_74 : i32
    %dma_start3A_76 = arith.constant 0 : i32
    %dma_start3A_77 = tpu.memref_slice %arg4[%add3A_75, %dma_start3A_76] : memref<524288x128xf32, #tpu.memory_space<hbm>> -> memref<256x128xf32, #tpu.memory_space<hbm>>
    %dma_start3A_78 = arith.constant 0 : i32
    %dma_start3A_79 = tpu.memref_slice %arg4[%add3A_75, %dma_start3A_78] : memref<524288x128xf32, #tpu.memory_space<hbm>> -> memref<256x128xf32, #tpu.memory_space<hbm>>
    tpu.enqueue_dma source(%arg5 : memref<256x128xf32, #tpu.memory_space<vmem>>) target(%dma_start3A_79 : memref<256x128xf32, #tpu.memory_space<hbm>>) target_semaphore(%arg9 : memref<!tpu.dma_semaphore, #tpu.memory_space<semaphore_mem>>)
    %dma_wait3A_80 = arith.constant 0 : i32
    %dma_wait3A_81 = tpu.memref_slice %arg4[%add3A_20, %dma_wait3A_80] : memref<524288x128xf32, #tpu.memory_space<hbm>> -> memref<256x128xf32, #tpu.memory_space<hbm>>
    %dma_wait3A_82 = arith.constant 0 : i32
    %dma_wait3A_83 = tpu.memref_slice %arg4[%add3A_20, %dma_wait3A_82] : memref<524288x128xf32, #tpu.memory_space<hbm>> -> memref<256x128xf32, #tpu.memory_space<hbm>>
    tpu.wait_dma2 semaphore(%arg9 : memref<!tpu.dma_semaphore, #tpu.memory_space<semaphore_mem>>) src(%arg5 : memref<256x128xf32, #tpu.memory_space<vmem>>) dst(%dma_wait3A_83 : memref<256x128xf32, #tpu.memory_space<hbm>>)
    %add3A_84 = arith.constant 2816 : i32
    %add3A_85 = arith.addi %mul3A_7, %add3A_84 : i32
    %dma_start3A_86 = arith.constant 0 : i32
    %dma_start3A_87 = tpu.memref_slice %arg4[%add3A_85, %dma_start3A_86] : memref<524288x128xf32, #tpu.memory_space<hbm>> -> memref<256x128xf32, #tpu.memory_space<hbm>>
    %dma_start3A_88 = arith.constant 0 : i32
    %dma_start3A_89 = tpu.memref_slice %arg4[%add3A_85, %dma_start3A_88] : memref<524288x128xf32, #tpu.memory_space<hbm>> -> memref<256x128xf32, #tpu.memory_space<hbm>>
    tpu.enqueue_dma source(%arg5 : memref<256x128xf32, #tpu.memory_space<vmem>>) target(%dma_start3A_89 : memref<256x128xf32, #tpu.memory_space<hbm>>) target_semaphore(%arg9 : memref<!tpu.dma_semaphore, #tpu.memory_space<semaphore_mem>>)
    %dma_wait3A_90 = arith.constant 0 : i32
    %dma_wait3A_91 = tpu.memref_slice %arg4[%add3A_26, %dma_wait3A_90] : memref<524288x128xf32, #tpu.memory_space<hbm>> -> memref<256x128xf32, #tpu.memory_space<hbm>>
    %dma_wait3A_92 = arith.constant 0 : i32
    %dma_wait3A_93 = tpu.memref_slice %arg4[%add3A_26, %dma_wait3A_92] : memref<524288x128xf32, #tpu.memory_space<hbm>> -> memref<256x128xf32, #tpu.memory_space<hbm>>
    tpu.wait_dma2 semaphore(%arg9 : memref<!tpu.dma_semaphore, #tpu.memory_space<semaphore_mem>>) src(%arg5 : memref<256x128xf32, #tpu.memory_space<vmem>>) dst(%dma_wait3A_93 : memref<256x128xf32, #tpu.memory_space<hbm>>)
    %add3A_94 = arith.constant 3072 : i32
    %add3A_95 = arith.addi %mul3A_7, %add3A_94 : i32
    %dma_start3A_96 = arith.constant 0 : i32
    %dma_start3A_97 = tpu.memref_slice %arg4[%add3A_95, %dma_start3A_96] : memref<524288x128xf32, #tpu.memory_space<hbm>> -> memref<256x128xf32, #tpu.memory_space<hbm>>
    %dma_start3A_98 = arith.constant 0 : i32
    %dma_start3A_99 = tpu.memref_slice %arg4[%add3A_95, %dma_start3A_98] : memref<524288x128xf32, #tpu.memory_space<hbm>> -> memref<256x128xf32, #tpu.memory_space<hbm>>
    tpu.enqueue_dma source(%arg5 : memref<256x128xf32, #tpu.memory_space<vmem>>) target(%dma_start3A_99 : memref<256x128xf32, #tpu.memory_space<hbm>>) target_semaphore(%arg9 : memref<!tpu.dma_semaphore, #tpu.memory_space<semaphore_mem>>)
    %dma_wait3A_100 = arith.constant 0 : i32
    %dma_wait3A_101 = tpu.memref_slice %arg4[%add3A_32, %dma_wait3A_100] : memref<524288x128xf32, #tpu.memory_space<hbm>> -> memref<256x128xf32, #tpu.memory_space<hbm>>
    %dma_wait3A_102 = arith.constant 0 : i32
    %dma_wait3A_103 = tpu.memref_slice %arg4[%add3A_32, %dma_wait3A_102] : memref<524288x128xf32, #tpu.memory_space<hbm>> -> memref<256x128xf32, #tpu.memory_space<hbm>>
    tpu.wait_dma2 semaphore(%arg9 : memref<!tpu.dma_semaphore, #tpu.memory_space<semaphore_mem>>) src(%arg5 : memref<256x128xf32, #tpu.memory_space<vmem>>) dst(%dma_wait3A_103 : memref<256x128xf32, #tpu.memory_space<hbm>>)
    %add3A_104 = arith.constant 3328 : i32
    %add3A_105 = arith.addi %mul3A_7, %add3A_104 : i32
    %dma_start3A_106 = arith.constant 0 : i32
    %dma_start3A_107 = tpu.memref_slice %arg4[%add3A_105, %dma_start3A_106] : memref<524288x128xf32, #tpu.memory_space<hbm>> -> memref<256x128xf32, #tpu.memory_space<hbm>>
    %dma_start3A_108 = arith.constant 0 : i32
    %dma_start3A_109 = tpu.memref_slice %arg4[%add3A_105, %dma_start3A_108] : memref<524288x128xf32, #tpu.memory_space<hbm>> -> memref<256x128xf32, #tpu.memory_space<hbm>>
    tpu.enqueue_dma source(%arg5 : memref<256x128xf32, #tpu.memory_space<vmem>>) target(%dma_start3A_109 : memref<256x128xf32, #tpu.memory_space<hbm>>) target_semaphore(%arg9 : memref<!tpu.dma_semaphore, #tpu.memory_space<semaphore_mem>>)
    %dma_wait3A_110 = arith.constant 0 : i32
    %dma_wait3A_111 = tpu.memref_slice %arg4[%add3A_38, %dma_wait3A_110] : memref<524288x128xf32, #tpu.memory_space<hbm>> -> memref<256x128xf32, #tpu.memory_space<hbm>>
    %dma_wait3A_112 = arith.constant 0 : i32
    %dma_wait3A_113 = tpu.memref_slice %arg4[%add3A_38, %dma_wait3A_112] : memref<524288x128xf32, #tpu.memory_space<hbm>> -> memref<256x128xf32, #tpu.memory_space<hbm>>
    tpu.wait_dma2 semaphore(%arg9 : memref<!tpu.dma_semaphore, #tpu.memory_space<semaphore_mem>>) src(%arg5 : memref<256x128xf32, #tpu.memory_space<vmem>>) dst(%dma_wait3A_113 : memref<256x128xf32, #tpu.memory_space<hbm>>)
    %add3A_114 = arith.constant 3584 : i32
    %add3A_115 = arith.addi %mul3A_7, %add3A_114 : i32
    %dma_start3A_116 = arith.constant 0 : i32
    %dma_start3A_117 = tpu.memref_slice %arg4[%add3A_115, %dma_start3A_116] : memref<524288x128xf32, #tpu.memory_space<hbm>> -> memref<256x128xf32, #tpu.memory_space<hbm>>
    %dma_start3A_118 = arith.constant 0 : i32
    %dma_start3A_119 = tpu.memref_slice %arg4[%add3A_115, %dma_start3A_118] : memref<524288x128xf32, #tpu.memory_space<hbm>> -> memref<256x128xf32, #tpu.memory_space<hbm>>
    tpu.enqueue_dma source(%arg5 : memref<256x128xf32, #tpu.memory_space<vmem>>) target(%dma_start3A_119 : memref<256x128xf32, #tpu.memory_space<hbm>>) target_semaphore(%arg9 : memref<!tpu.dma_semaphore, #tpu.memory_space<semaphore_mem>>)
    %dma_wait3A_120 = arith.constant 0 : i32
    %dma_wait3A_121 = tpu.memref_slice %arg4[%add3A_44, %dma_wait3A_120] : memref<524288x128xf32, #tpu.memory_space<hbm>> -> memref<256x128xf32, #tpu.memory_space<hbm>>
    %dma_wait3A_122 = arith.constant 0 : i32
    %dma_wait3A_123 = tpu.memref_slice %arg4[%add3A_44, %dma_wait3A_122] : memref<524288x128xf32, #tpu.memory_space<hbm>> -> memref<256x128xf32, #tpu.memory_space<hbm>>
    tpu.wait_dma2 semaphore(%arg9 : memref<!tpu.dma_semaphore, #tpu.memory_space<semaphore_mem>>) src(%arg5 : memref<256x128xf32, #tpu.memory_space<vmem>>) dst(%dma_wait3A_123 : memref<256x128xf32, #tpu.memory_space<hbm>>)
    %add3A_124 = arith.constant 3840 : i32
    %add3A_125 = arith.addi %mul3A_7, %add3A_124 : i32
    %dma_start3A_126 = arith.constant 0 : i32
    %dma_start3A_127 = tpu.memref_slice %arg4[%add3A_125, %dma_start3A_126] : memref<524288x128xf32, #tpu.memory_space<hbm>> -> memref<256x128xf32, #tpu.memory_space<hbm>>
    %dma_start3A_128 = arith.constant 0 : i32
    %dma_start3A_129 = tpu.memref_slice %arg4[%add3A_125, %dma_start3A_128] : memref<524288x128xf32, #tpu.memory_space<hbm>> -> memref<256x128xf32, #tpu.memory_space<hbm>>
    tpu.enqueue_dma source(%arg5 : memref<256x128xf32, #tpu.memory_space<vmem>>) target(%dma_start3A_129 : memref<256x128xf32, #tpu.memory_space<hbm>>) target_semaphore(%arg9 : memref<!tpu.dma_semaphore, #tpu.memory_space<semaphore_mem>>)
    %dma_wait3A_130 = arith.constant 0 : i32
    %dma_wait3A_131 = tpu.memref_slice %arg4[%add3A_50, %dma_wait3A_130] : memref<524288x128xf32, #tpu.memory_space<hbm>> -> memref<256x128xf32, #tpu.memory_space<hbm>>
    %dma_wait3A_132 = arith.constant 0 : i32
    %dma_wait3A_133 = tpu.memref_slice %arg4[%add3A_50, %dma_wait3A_132] : memref<524288x128xf32, #tpu.memory_space<hbm>> -> memref<256x128xf32, #tpu.memory_space<hbm>>
    tpu.wait_dma2 semaphore(%arg9 : memref<!tpu.dma_semaphore, #tpu.memory_space<semaphore_mem>>) src(%arg5 : memref<256x128xf32, #tpu.memory_space<vmem>>) dst(%dma_wait3A_133 : memref<256x128xf32, #tpu.memory_space<hbm>>)
    %add3A_134 = arith.constant 4096 : i32
    %add3A_135 = arith.addi %mul3A_7, %add3A_134 : i32
    %dma_start3A_136 = arith.constant 0 : i32
    %dma_start3A_137 = tpu.memref_slice %arg4[%add3A_135, %dma_start3A_136] : memref<524288x128xf32, #tpu.memory_space<hbm>> -> memref<256x128xf32, #tpu.memory_space<hbm>>
    %dma_start3A_138 = arith.constant 0 : i32
    %dma_start3A_139 = tpu.memref_slice %arg4[%add3A_135, %dma_start3A_138] : memref<524288x128xf32, #tpu.memory_space<hbm>> -> memref<256x128xf32, #tpu.memory_space<hbm>>
    tpu.enqueue_dma source(%arg5 : memref<256x128xf32, #tpu.memory_space<vmem>>) target(%dma_start3A_139 : memref<256x128xf32, #tpu.memory_space<hbm>>) target_semaphore(%arg9 : memref<!tpu.dma_semaphore, #tpu.memory_space<semaphore_mem>>)
    %dma_wait3A_140 = arith.constant 0 : i32
    %dma_wait3A_141 = tpu.memref_slice %arg4[%add3A_56, %dma_wait3A_140] : memref<524288x128xf32, #tpu.memory_space<hbm>> -> memref<256x128xf32, #tpu.memory_space<hbm>>
    %dma_wait3A_142 = arith.constant 0 : i32
    %dma_wait3A_143 = tpu.memref_slice %arg4[%add3A_56, %dma_wait3A_142] : memref<524288x128xf32, #tpu.memory_space<hbm>> -> memref<256x128xf32, #tpu.memory_space<hbm>>
    tpu.wait_dma2 semaphore(%arg9 : memref<!tpu.dma_semaphore, #tpu.memory_space<semaphore_mem>>) src(%arg5 : memref<256x128xf32, #tpu.memory_space<vmem>>) dst(%dma_wait3A_143 : memref<256x128xf32, #tpu.memory_space<hbm>>)
    %add3A_144 = arith.constant 4352 : i32
    %add3A_145 = arith.addi %mul3A_7, %add3A_144 : i32
    %dma_start3A_146 = arith.constant 0 : i32
    %dma_start3A_147 = tpu.memref_slice %arg4[%add3A_145, %dma_start3A_146] : memref<524288x128xf32, #tpu.memory_space<hbm>> -> memref<256x128xf32, #tpu.memory_space<hbm>>
    %dma_start3A_148 = arith.constant 0 : i32
    %dma_start3A_149 = tpu.memref_slice %arg4[%add3A_145, %dma_start3A_148] : memref<524288x128xf32, #tpu.memory_space<hbm>> -> memref<256x128xf32, #tpu.memory_space<hbm>>
    tpu.enqueue_dma source(%arg5 : memref<256x128xf32, #tpu.memory_space<vmem>>) target(%dma_start3A_149 : memref<256x128xf32, #tpu.memory_space<hbm>>) target_semaphore(%arg9 : memref<!tpu.dma_semaphore, #tpu.memory_space<semaphore_mem>>)
    %dma_wait3A_150 = arith.constant 0 : i32
    %dma_wait3A_151 = tpu.memref_slice %arg4[%add3A_65, %dma_wait3A_150] : memref<524288x128xf32, #tpu.memory_space<hbm>> -> memref<256x128xf32, #tpu.memory_space<hbm>>
    %dma_wait3A_152 = arith.constant 0 : i32
    %dma_wait3A_153 = tpu.memref_slice %arg4[%add3A_65, %dma_wait3A_152] : memref<524288x128xf32, #tpu.memory_space<hbm>> -> memref<256x128xf32, #tpu.memory_space<hbm>>
    tpu.wait_dma2 semaphore(%arg9 : memref<!tpu.dma_semaphore, #tpu.memory_space<semaphore_mem>>) src(%arg5 : memref<256x128xf32, #tpu.memory_space<vmem>>) dst(%dma_wait3A_153 : memref<256x128xf32, #tpu.memory_space<hbm>>)
    %add3A_154 = arith.constant 4608 : i32
    %add3A_155 = arith.addi %mul3A_7, %add3A_154 : i32
    %dma_start3A_156 = arith.constant 0 : i32
    %dma_start3A_157 = tpu.memref_slice %arg4[%add3A_155, %dma_start3A_156] : memref<524288x128xf32, #tpu.memory_space<hbm>> -> memref<256x128xf32, #tpu.memory_space<hbm>>
    %dma_start3A_158 = arith.constant 0 : i32
    %dma_start3A_159 = tpu.memref_slice %arg4[%add3A_155, %dma_start3A_158] : memref<524288x128xf32, #tpu.memory_space<hbm>> -> memref<256x128xf32, #tpu.memory_space<hbm>>
    tpu.enqueue_dma source(%arg5 : memref<256x128xf32, #tpu.memory_space<vmem>>) target(%dma_start3A_159 : memref<256x128xf32, #tpu.memory_space<hbm>>) target_semaphore(%arg9 : memref<!tpu.dma_semaphore, #tpu.memory_space<semaphore_mem>>)
    %dma_wait3A_160 = arith.constant 0 : i32
    %dma_wait3A_161 = tpu.memref_slice %arg4[%add3A_75, %dma_wait3A_160] : memref<524288x128xf32, #tpu.memory_space<hbm>> -> memref<256x128xf32, #tpu.memory_space<hbm>>
    %dma_wait3A_162 = arith.constant 0 : i32
    %dma_wait3A_163 = tpu.memref_slice %arg4[%add3A_75, %dma_wait3A_162] : memref<524288x128xf32, #tpu.memory_space<hbm>> -> memref<256x128xf32, #tpu.memory_space<hbm>>
    tpu.wait_dma2 semaphore(%arg9 : memref<!tpu.dma_semaphore, #tpu.memory_space<semaphore_mem>>) src(%arg5 : memref<256x128xf32, #tpu.memory_space<vmem>>) dst(%dma_wait3A_163 : memref<256x128xf32, #tpu.memory_space<hbm>>)
    %add3A_164 = arith.constant 4864 : i32
    %add3A_165 = arith.addi %mul3A_7, %add3A_164 : i32
    %dma_start3A_166 = arith.constant 0 : i32
    %dma_start3A_167 = tpu.memref_slice %arg4[%add3A_165, %dma_start3A_166] : memref<524288x128xf32, #tpu.memory_space<hbm>> -> memref<256x128xf32, #tpu.memory_space<hbm>>
    %dma_start3A_168 = arith.constant 0 : i32
    %dma_start3A_169 = tpu.memref_slice %arg4[%add3A_165, %dma_start3A_168] : memref<524288x128xf32, #tpu.memory_space<hbm>> -> memref<256x128xf32, #tpu.memory_space<hbm>>
    tpu.enqueue_dma source(%arg5 : memref<256x128xf32, #tpu.memory_space<vmem>>) target(%dma_start3A_169 : memref<256x128xf32, #tpu.memory_space<hbm>>) target_semaphore(%arg9 : memref<!tpu.dma_semaphore, #tpu.memory_space<semaphore_mem>>)
    %dma_wait3A_170 = arith.constant 0 : i32
    %dma_wait3A_171 = tpu.memref_slice %arg4[%add3A_85, %dma_wait3A_170] : memref<524288x128xf32, #tpu.memory_space<hbm>> -> memref<256x128xf32, #tpu.memory_space<hbm>>
    %dma_wait3A_172 = arith.constant 0 : i32
    %dma_wait3A_173 = tpu.memref_slice %arg4[%add3A_85, %dma_wait3A_172] : memref<524288x128xf32, #tpu.memory_space<hbm>> -> memref<256x128xf32, #tpu.memory_space<hbm>>
    tpu.wait_dma2 semaphore(%arg9 : memref<!tpu.dma_semaphore, #tpu.memory_space<semaphore_mem>>) src(%arg5 : memref<256x128xf32, #tpu.memory_space<vmem>>) dst(%dma_wait3A_173 : memref<256x128xf32, #tpu.memory_space<hbm>>)
    %add3A_174 = arith.constant 5120 : i32
    %add3A_175 = arith.addi %mul3A_7, %add3A_174 : i32
    %dma_start3A_176 = arith.constant 0 : i32
    %dma_start3A_177 = tpu.memref_slice %arg4[%add3A_175, %dma_start3A_176] : memref<524288x128xf32, #tpu.memory_space<hbm>> -> memref<256x128xf32, #tpu.memory_space<hbm>>
    %dma_start3A_178 = arith.constant 0 : i32
    %dma_start3A_179 = tpu.memref_slice %arg4[%add3A_175, %dma_start3A_178] : memref<524288x128xf32, #tpu.memory_space<hbm>> -> memref<256x128xf32, #tpu.memory_space<hbm>>
    tpu.enqueue_dma source(%arg5 : memref<256x128xf32, #tpu.memory_space<vmem>>) target(%dma_start3A_179 : memref<256x128xf32, #tpu.memory_space<hbm>>) target_semaphore(%arg9 : memref<!tpu.dma_semaphore, #tpu.memory_space<semaphore_mem>>)
    %dma_wait3A_180 = arith.constant 0 : i32
    %dma_wait3A_181 = tpu.memref_slice %arg4[%add3A_95, %dma_wait3A_180] : memref<524288x128xf32, #tpu.memory_space<hbm>> -> memref<256x128xf32, #tpu.memory_space<hbm>>
    %dma_wait3A_182 = arith.constant 0 : i32
    %dma_wait3A_183 = tpu.memref_slice %arg4[%add3A_95, %dma_wait3A_182] : memref<524288x128xf32, #tpu.memory_space<hbm>> -> memref<256x128xf32, #tpu.memory_space<hbm>>
    tpu.wait_dma2 semaphore(%arg9 : memref<!tpu.dma_semaphore, #tpu.memory_space<semaphore_mem>>) src(%arg5 : memref<256x128xf32, #tpu.memory_space<vmem>>) dst(%dma_wait3A_183 : memref<256x128xf32, #tpu.memory_space<hbm>>)
    %add3A_184 = arith.constant 5376 : i32
    %add3A_185 = arith.addi %mul3A_7, %add3A_184 : i32
    %dma_start3A_186 = arith.constant 0 : i32
    %dma_start3A_187 = tpu.memref_slice %arg4[%add3A_185, %dma_start3A_186] : memref<524288x128xf32, #tpu.memory_space<hbm>> -> memref<256x128xf32, #tpu.memory_space<hbm>>
    %dma_start3A_188 = arith.constant 0 : i32
    %dma_start3A_189 = tpu.memref_slice %arg4[%add3A_185, %dma_start3A_188] : memref<524288x128xf32, #tpu.memory_space<hbm>> -> memref<256x128xf32, #tpu.memory_space<hbm>>
    tpu.enqueue_dma source(%arg5 : memref<256x128xf32, #tpu.memory_space<vmem>>) target(%dma_start3A_189 : memref<256x128xf32, #tpu.memory_space<hbm>>) target_semaphore(%arg9 : memref<!tpu.dma_semaphore, #tpu.memory_space<semaphore_mem>>)
    %dma_wait3A_190 = arith.constant 0 : i32
    %dma_wait3A_191 = tpu.memref_slice %arg4[%add3A_105, %dma_wait3A_190] : memref<524288x128xf32, #tpu.memory_space<hbm>> -> memref<256x128xf32, #tpu.memory_space<hbm>>
    %dma_wait3A_192 = arith.constant 0 : i32
    %dma_wait3A_193 = tpu.memref_slice %arg4[%add3A_105, %dma_wait3A_192] : memref<524288x128xf32, #tpu.memory_space<hbm>> -> memref<256x128xf32, #tpu.memory_space<hbm>>
    tpu.wait_dma2 semaphore(%arg9 : memref<!tpu.dma_semaphore, #tpu.memory_space<semaphore_mem>>) src(%arg5 : memref<256x128xf32, #tpu.memory_space<vmem>>) dst(%dma_wait3A_193 : memref<256x128xf32, #tpu.memory_space<hbm>>)
    %add3A_194 = arith.constant 5632 : i32
    %add3A_195 = arith.addi %mul3A_7, %add3A_194 : i32
    %dma_start3A_196 = arith.constant 0 : i32
    %dma_start3A_197 = tpu.memref_slice %arg4[%add3A_195, %dma_start3A_196] : memref<524288x128xf32, #tpu.memory_space<hbm>> -> memref<256x128xf32, #tpu.memory_space<hbm>>
    %dma_start3A_198 = arith.constant 0 : i32
    %dma_start3A_199 = tpu.memref_slice %arg4[%add3A_195, %dma_start3A_198] : memref<524288x128xf32, #tpu.memory_space<hbm>> -> memref<256x128xf32, #tpu.memory_space<hbm>>
    tpu.enqueue_dma source(%arg5 : memref<256x128xf32, #tpu.memory_space<vmem>>) target(%dma_start3A_199 : memref<256x128xf32, #tpu.memory_space<hbm>>) target_semaphore(%arg9 : memref<!tpu.dma_semaphore, #tpu.memory_space<semaphore_mem>>)
    %dma_wait3A_200 = arith.constant 0 : i32
    %dma_wait3A_201 = tpu.memref_slice %arg4[%add3A_115, %dma_wait3A_200] : memref<524288x128xf32, #tpu.memory_space<hbm>> -> memref<256x128xf32, #tpu.memory_space<hbm>>
    %dma_wait3A_202 = arith.constant 0 : i32
    %dma_wait3A_203 = tpu.memref_slice %arg4[%add3A_115, %dma_wait3A_202] : memref<524288x128xf32, #tpu.memory_space<hbm>> -> memref<256x128xf32, #tpu.memory_space<hbm>>
    tpu.wait_dma2 semaphore(%arg9 : memref<!tpu.dma_semaphore, #tpu.memory_space<semaphore_mem>>) src(%arg5 : memref<256x128xf32, #tpu.memory_space<vmem>>) dst(%dma_wait3A_203 : memref<256x128xf32, #tpu.memory_space<hbm>>)
    %add3A_204 = arith.constant 5888 : i32
    %add3A_205 = arith.addi %mul3A_7, %add3A_204 : i32
    %dma_start3A_206 = arith.constant 0 : i32
    %dma_start3A_207 = tpu.memref_slice %arg4[%add3A_205, %dma_start3A_206] : memref<524288x128xf32, #tpu.memory_space<hbm>> -> memref<256x128xf32, #tpu.memory_space<hbm>>
    %dma_start3A_208 = arith.constant 0 : i32
    %dma_start3A_209 = tpu.memref_slice %arg4[%add3A_205, %dma_start3A_208] : memref<524288x128xf32, #tpu.memory_space<hbm>> -> memref<256x128xf32, #tpu.memory_space<hbm>>
    tpu.enqueue_dma source(%arg5 : memref<256x128xf32, #tpu.memory_space<vmem>>) target(%dma_start3A_209 : memref<256x128xf32, #tpu.memory_space<hbm>>) target_semaphore(%arg9 : memref<!tpu.dma_semaphore, #tpu.memory_space<semaphore_mem>>)
    %dma_wait3A_210 = arith.constant 0 : i32
    %dma_wait3A_211 = tpu.memref_slice %arg4[%add3A_125, %dma_wait3A_210] : memref<524288x128xf32, #tpu.memory_space<hbm>> -> memref<256x128xf32, #tpu.memory_space<hbm>>
    %dma_wait3A_212 = arith.constant 0 : i32
    %dma_wait3A_213 = tpu.memref_slice %arg4[%add3A_125, %dma_wait3A_212] : memref<524288x128xf32, #tpu.memory_space<hbm>> -> memref<256x128xf32, #tpu.memory_space<hbm>>
    tpu.wait_dma2 semaphore(%arg9 : memref<!tpu.dma_semaphore, #tpu.memory_space<semaphore_mem>>) src(%arg5 : memref<256x128xf32, #tpu.memory_space<vmem>>) dst(%dma_wait3A_213 : memref<256x128xf32, #tpu.memory_space<hbm>>)
    %add3A_214 = arith.constant 6144 : i32
    %add3A_215 = arith.addi %mul3A_7, %add3A_214 : i32
    %dma_start3A_216 = arith.constant 0 : i32
    %dma_start3A_217 = tpu.memref_slice %arg4[%add3A_215, %dma_start3A_216] : memref<524288x128xf32, #tpu.memory_space<hbm>> -> memref<256x128xf32, #tpu.memory_space<hbm>>
    %dma_start3A_218 = arith.constant 0 : i32
    %dma_start3A_219 = tpu.memref_slice %arg4[%add3A_215, %dma_start3A_218] : memref<524288x128xf32, #tpu.memory_space<hbm>> -> memref<256x128xf32, #tpu.memory_space<hbm>>
    tpu.enqueue_dma source(%arg5 : memref<256x128xf32, #tpu.memory_space<vmem>>) target(%dma_start3A_219 : memref<256x128xf32, #tpu.memory_space<hbm>>) target_semaphore(%arg9 : memref<!tpu.dma_semaphore, #tpu.memory_space<semaphore_mem>>)
    %dma_wait3A_220 = arith.constant 0 : i32
    %dma_wait3A_221 = tpu.memref_slice %arg4[%add3A_135, %dma_wait3A_220] : memref<524288x128xf32, #tpu.memory_space<hbm>> -> memref<256x128xf32, #tpu.memory_space<hbm>>
    %dma_wait3A_222 = arith.constant 0 : i32
    %dma_wait3A_223 = tpu.memref_slice %arg4[%add3A_135, %dma_wait3A_222] : memref<524288x128xf32, #tpu.memory_space<hbm>> -> memref<256x128xf32, #tpu.memory_space<hbm>>
    tpu.wait_dma2 semaphore(%arg9 : memref<!tpu.dma_semaphore, #tpu.memory_space<semaphore_mem>>) src(%arg5 : memref<256x128xf32, #tpu.memory_space<vmem>>) dst(%dma_wait3A_223 : memref<256x128xf32, #tpu.memory_space<hbm>>)
    %add3A_224 = arith.constant 6400 : i32
    %add3A_225 = arith.addi %mul3A_7, %add3A_224 : i32
    %dma_start3A_226 = arith.constant 0 : i32
    %dma_start3A_227 = tpu.memref_slice %arg4[%add3A_225, %dma_start3A_226] : memref<524288x128xf32, #tpu.memory_space<hbm>> -> memref<256x128xf32, #tpu.memory_space<hbm>>
    %dma_start3A_228 = arith.constant 0 : i32
    %dma_start3A_229 = tpu.memref_slice %arg4[%add3A_225, %dma_start3A_228] : memref<524288x128xf32, #tpu.memory_space<hbm>> -> memref<256x128xf32, #tpu.memory_space<hbm>>
    tpu.enqueue_dma source(%arg5 : memref<256x128xf32, #tpu.memory_space<vmem>>) target(%dma_start3A_229 : memref<256x128xf32, #tpu.memory_space<hbm>>) target_semaphore(%arg9 : memref<!tpu.dma_semaphore, #tpu.memory_space<semaphore_mem>>)
    %dma_wait3A_230 = arith.constant 0 : i32
    %dma_wait3A_231 = tpu.memref_slice %arg4[%add3A_145, %dma_wait3A_230] : memref<524288x128xf32, #tpu.memory_space<hbm>> -> memref<256x128xf32, #tpu.memory_space<hbm>>
    %dma_wait3A_232 = arith.constant 0 : i32
    %dma_wait3A_233 = tpu.memref_slice %arg4[%add3A_145, %dma_wait3A_232] : memref<524288x128xf32, #tpu.memory_space<hbm>> -> memref<256x128xf32, #tpu.memory_space<hbm>>
    tpu.wait_dma2 semaphore(%arg9 : memref<!tpu.dma_semaphore, #tpu.memory_space<semaphore_mem>>) src(%arg5 : memref<256x128xf32, #tpu.memory_space<vmem>>) dst(%dma_wait3A_233 : memref<256x128xf32, #tpu.memory_space<hbm>>)
    %add3A_234 = arith.constant 6656 : i32
    %add3A_235 = arith.addi %mul3A_7, %add3A_234 : i32
    %dma_start3A_236 = arith.constant 0 : i32
    %dma_start3A_237 = tpu.memref_slice %arg4[%add3A_235, %dma_start3A_236] : memref<524288x128xf32, #tpu.memory_space<hbm>> -> memref<256x128xf32, #tpu.memory_space<hbm>>
    %dma_start3A_238 = arith.constant 0 : i32
    %dma_start3A_239 = tpu.memref_slice %arg4[%add3A_235, %dma_start3A_238] : memref<524288x128xf32, #tpu.memory_space<hbm>> -> memref<256x128xf32, #tpu.memory_space<hbm>>
    tpu.enqueue_dma source(%arg5 : memref<256x128xf32, #tpu.memory_space<vmem>>) target(%dma_start3A_239 : memref<256x128xf32, #tpu.memory_space<hbm>>) target_semaphore(%arg9 : memref<!tpu.dma_semaphore, #tpu.memory_space<semaphore_mem>>)
    %dma_wait3A_240 = arith.constant 0 : i32
    %dma_wait3A_241 = tpu.memref_slice %arg4[%add3A_155, %dma_wait3A_240] : memref<524288x128xf32, #tpu.memory_space<hbm>> -> memref<256x128xf32, #tpu.memory_space<hbm>>
    %dma_wait3A_242 = arith.constant 0 : i32
    %dma_wait3A_243 = tpu.memref_slice %arg4[%add3A_155, %dma_wait3A_242] : memref<524288x128xf32, #tpu.memory_space<hbm>> -> memref<256x128xf32, #tpu.memory_space<hbm>>
    tpu.wait_dma2 semaphore(%arg9 : memref<!tpu.dma_semaphore, #tpu.memory_space<semaphore_mem>>) src(%arg5 : memref<256x128xf32, #tpu.memory_space<vmem>>) dst(%dma_wait3A_243 : memref<256x128xf32, #tpu.memory_space<hbm>>)
    %add3A_244 = arith.constant 6912 : i32
    %add3A_245 = arith.addi %mul3A_7, %add3A_244 : i32
    %dma_start3A_246 = arith.constant 0 : i32
    %dma_start3A_247 = tpu.memref_slice %arg4[%add3A_245, %dma_start3A_246] : memref<524288x128xf32, #tpu.memory_space<hbm>> -> memref<256x128xf32, #tpu.memory_space<hbm>>
    %dma_start3A_248 = arith.constant 0 : i32
    %dma_start3A_249 = tpu.memref_slice %arg4[%add3A_245, %dma_start3A_248] : memref<524288x128xf32, #tpu.memory_space<hbm>> -> memref<256x128xf32, #tpu.memory_space<hbm>>
    tpu.enqueue_dma source(%arg5 : memref<256x128xf32, #tpu.memory_space<vmem>>) target(%dma_start3A_249 : memref<256x128xf32, #tpu.memory_space<hbm>>) target_semaphore(%arg9 : memref<!tpu.dma_semaphore, #tpu.memory_space<semaphore_mem>>)
    %dma_wait3A_250 = arith.constant 0 : i32
    %dma_wait3A_251 = tpu.memref_slice %arg4[%add3A_165, %dma_wait3A_250] : memref<524288x128xf32, #tpu.memory_space<hbm>> -> memref<256x128xf32, #tpu.memory_space<hbm>>
    %dma_wait3A_252 = arith.constant 0 : i32
    %dma_wait3A_253 = tpu.memref_slice %arg4[%add3A_165, %dma_wait3A_252] : memref<524288x128xf32, #tpu.memory_space<hbm>> -> memref<256x128xf32, #tpu.memory_space<hbm>>
    tpu.wait_dma2 semaphore(%arg9 : memref<!tpu.dma_semaphore, #tpu.memory_space<semaphore_mem>>) src(%arg5 : memref<256x128xf32, #tpu.memory_space<vmem>>) dst(%dma_wait3A_253 : memref<256x128xf32, #tpu.memory_space<hbm>>)
    %add3A_254 = arith.constant 7168 : i32
    %add3A_255 = arith.addi %mul3A_7, %add3A_254 : i32
    %dma_start3A_256 = arith.constant 0 : i32
    %dma_start3A_257 = tpu.memref_slice %arg4[%add3A_255, %dma_start3A_256] : memref<524288x128xf32, #tpu.memory_space<hbm>> -> memref<256x128xf32, #tpu.memory_space<hbm>>
    %dma_start3A_258 = arith.constant 0 : i32
    %dma_start3A_259 = tpu.memref_slice %arg4[%add3A_255, %dma_start3A_258] : memref<524288x128xf32, #tpu.memory_space<hbm>> -> memref<256x128xf32, #tpu.memory_space<hbm>>
    tpu.enqueue_dma source(%arg5 : memref<256x128xf32, #tpu.memory_space<vmem>>) target(%dma_start3A_259 : memref<256x128xf32, #tpu.memory_space<hbm>>) target_semaphore(%arg9 : memref<!tpu.dma_semaphore, #tpu.memory_space<semaphore_mem>>)
    %dma_wait3A_260 = arith.constant 0 : i32
    %dma_wait3A_261 = tpu.memref_slice %arg4[%add3A_175, %dma_wait3A_260] : memref<524288x128xf32, #tpu.memory_space<hbm>> -> memref<256x128xf32, #tpu.memory_space<hbm>>
    %dma_wait3A_262 = arith.constant 0 : i32
    %dma_wait3A_263 = tpu.memref_slice %arg4[%add3A_175, %dma_wait3A_262] : memref<524288x128xf32, #tpu.memory_space<hbm>> -> memref<256x128xf32, #tpu.memory_space<hbm>>
    tpu.wait_dma2 semaphore(%arg9 : memref<!tpu.dma_semaphore, #tpu.memory_space<semaphore_mem>>) src(%arg5 : memref<256x128xf32, #tpu.memory_space<vmem>>) dst(%dma_wait3A_263 : memref<256x128xf32, #tpu.memory_space<hbm>>)
    %add3A_264 = arith.constant 7424 : i32
    %add3A_265 = arith.addi %mul3A_7, %add3A_264 : i32
    %dma_start3A_266 = arith.constant 0 : i32
    %dma_start3A_267 = tpu.memref_slice %arg4[%add3A_265, %dma_start3A_266] : memref<524288x128xf32, #tpu.memory_space<hbm>> -> memref<256x128xf32, #tpu.memory_space<hbm>>
    %dma_start3A_268 = arith.constant 0 : i32
    %dma_start3A_269 = tpu.memref_slice %arg4[%add3A_265, %dma_start3A_268] : memref<524288x128xf32, #tpu.memory_space<hbm>> -> memref<256x128xf32, #tpu.memory_space<hbm>>
    tpu.enqueue_dma source(%arg5 : memref<256x128xf32, #tpu.memory_space<vmem>>) target(%dma_start3A_269 : memref<256x128xf32, #tpu.memory_space<hbm>>) target_semaphore(%arg9 : memref<!tpu.dma_semaphore, #tpu.memory_space<semaphore_mem>>)
    %dma_wait3A_270 = arith.constant 0 : i32
    %dma_wait3A_271 = tpu.memref_slice %arg4[%add3A_185, %dma_wait3A_270] : memref<524288x128xf32, #tpu.memory_space<hbm>> -> memref<256x128xf32, #tpu.memory_space<hbm>>
    %dma_wait3A_272 = arith.constant 0 : i32
    %dma_wait3A_273 = tpu.memref_slice %arg4[%add3A_185, %dma_wait3A_272] : memref<524288x128xf32, #tpu.memory_space<hbm>> -> memref<256x128xf32, #tpu.memory_space<hbm>>
    tpu.wait_dma2 semaphore(%arg9 : memref<!tpu.dma_semaphore, #tpu.memory_space<semaphore_mem>>) src(%arg5 : memref<256x128xf32, #tpu.memory_space<vmem>>) dst(%dma_wait3A_273 : memref<256x128xf32, #tpu.memory_space<hbm>>)
    %add3A_274 = arith.constant 7680 : i32
    %add3A_275 = arith.addi %mul3A_7, %add3A_274 : i32
    %dma_start3A_276 = arith.constant 0 : i32
    %dma_start3A_277 = tpu.memref_slice %arg4[%add3A_275, %dma_start3A_276] : memref<524288x128xf32, #tpu.memory_space<hbm>> -> memref<256x128xf32, #tpu.memory_space<hbm>>
    %dma_start3A_278 = arith.constant 0 : i32
    %dma_start3A_279 = tpu.memref_slice %arg4[%add3A_275, %dma_start3A_278] : memref<524288x128xf32, #tpu.memory_space<hbm>> -> memref<256x128xf32, #tpu.memory_space<hbm>>
    tpu.enqueue_dma source(%arg5 : memref<256x128xf32, #tpu.memory_space<vmem>>) target(%dma_start3A_279 : memref<256x128xf32, #tpu.memory_space<hbm>>) target_semaphore(%arg9 : memref<!tpu.dma_semaphore, #tpu.memory_space<semaphore_mem>>)
    %dma_wait3A_280 = arith.constant 0 : i32
    %dma_wait3A_281 = tpu.memref_slice %arg4[%add3A_195, %dma_wait3A_280] : memref<524288x128xf32, #tpu.memory_space<hbm>> -> memref<256x128xf32, #tpu.memory_space<hbm>>
    %dma_wait3A_282 = arith.constant 0 : i32
    %dma_wait3A_283 = tpu.memref_slice %arg4[%add3A_195, %dma_wait3A_282] : memref<524288x128xf32, #tpu.memory_space<hbm>> -> memref<256x128xf32, #tpu.memory_space<hbm>>
    tpu.wait_dma2 semaphore(%arg9 : memref<!tpu.dma_semaphore, #tpu.memory_space<semaphore_mem>>) src(%arg5 : memref<256x128xf32, #tpu.memory_space<vmem>>) dst(%dma_wait3A_283 : memref<256x128xf32, #tpu.memory_space<hbm>>)
    %add3A_284 = arith.constant 7936 : i32
    %add3A_285 = arith.addi %mul3A_7, %add3A_284 : i32
    %dma_start3A_286 = arith.constant 0 : i32
    %dma_start3A_287 = tpu.memref_slice %arg4[%add3A_285, %dma_start3A_286] : memref<524288x128xf32, #tpu.memory_space<hbm>> -> memref<256x128xf32, #tpu.memory_space<hbm>>
    %dma_start3A_288 = arith.constant 0 : i32
    %dma_start3A_289 = tpu.memref_slice %arg4[%add3A_285, %dma_start3A_288] : memref<524288x128xf32, #tpu.memory_space<hbm>> -> memref<256x128xf32, #tpu.memory_space<hbm>>
    tpu.enqueue_dma source(%arg5 : memref<256x128xf32, #tpu.memory_space<vmem>>) target(%dma_start3A_289 : memref<256x128xf32, #tpu.memory_space<hbm>>) target_semaphore(%arg9 : memref<!tpu.dma_semaphore, #tpu.memory_space<semaphore_mem>>)
    %dma_wait3A_290 = arith.constant 0 : i32
    %dma_wait3A_291 = tpu.memref_slice %arg4[%add3A_205, %dma_wait3A_290] : memref<524288x128xf32, #tpu.memory_space<hbm>> -> memref<256x128xf32, #tpu.memory_space<hbm>>
    %dma_wait3A_292 = arith.constant 0 : i32
    %dma_wait3A_293 = tpu.memref_slice %arg4[%add3A_205, %dma_wait3A_292] : memref<524288x128xf32, #tpu.memory_space<hbm>> -> memref<256x128xf32, #tpu.memory_space<hbm>>
    tpu.wait_dma2 semaphore(%arg9 : memref<!tpu.dma_semaphore, #tpu.memory_space<semaphore_mem>>) src(%arg5 : memref<256x128xf32, #tpu.memory_space<vmem>>) dst(%dma_wait3A_293 : memref<256x128xf32, #tpu.memory_space<hbm>>)
    %mul3A_294 = arith.constant 32 : i32
    %mul3A_295 = arith.muli %add3A, %mul3A_294 : i32
    "tpu.region"() ({
      %run_scoped3A = tpu.sem_alloc : memref<!tpu.dma_semaphore, #tpu.memory_space<semaphore_mem>>
      %dma_start3A_371 = arith.constant 0 : i32
      %dma_start3A_372 = tpu.memref_slice %arg2[%mul3A_295, %dma_start3A_371] : memref<1024x128xf32, #tpu.memory_space<hbm>> -> memref<32x128xf32, #tpu.memory_space<hbm>>
      %dma_start3A_373 = arith.constant 0 : i32
      %dma_start3A_374 = tpu.memref_slice %arg2[%mul3A_295, %dma_start3A_373] : memref<1024x128xf32, #tpu.memory_space<hbm>> -> memref<32x128xf32, #tpu.memory_space<hbm>>
      tpu.enqueue_dma source(%dma_start3A_374 : memref<32x128xf32, #tpu.memory_space<hbm>>) target(%arg6 : memref<32x128xf32, #tpu.memory_space<vmem>>) target_semaphore(%run_scoped3A : memref<!tpu.dma_semaphore, #tpu.memory_space<semaphore_mem>>)
      %dma_wait3A_375 = arith.constant 0 : i32
      %dma_wait3A_376 = tpu.memref_slice %arg2[%mul3A_295, %dma_wait3A_375] : memref<1024x128xf32, #tpu.memory_space<hbm>> -> memref<32x128xf32, #tpu.memory_space<hbm>>
      %dma_wait3A_377 = arith.constant 0 : i32
      %dma_wait3A_378 = tpu.memref_slice %arg2[%mul3A_295, %dma_wait3A_377] : memref<1024x128xf32, #tpu.memory_space<hbm>> -> memref<32x128xf32, #tpu.memory_space<hbm>>
      tpu.wait_dma2 semaphore(%run_scoped3A : memref<!tpu.dma_semaphore, #tpu.memory_space<semaphore_mem>>) src(%dma_wait3A_378 : memref<32x128xf32, #tpu.memory_space<hbm>>) dst(%arg6 : memref<32x128xf32, #tpu.memory_space<vmem>>)
      tpu.yield
    }) : () -> ()
    "tpu.region"() ({
      %run_scoped3A = tpu.sem_alloc : memref<!tpu.dma_semaphore, #tpu.memory_space<semaphore_mem>>
      tpu.enqueue_dma source(%arg3 : memref<16xi32, #tpu.memory_space<hbm>>) target(%arg7 : memref<16xi32, #tpu.memory_space<vmem>>) target_semaphore(%run_scoped3A : memref<!tpu.dma_semaphore, #tpu.memory_space<semaphore_mem>>)
      tpu.wait_dma2 semaphore(%run_scoped3A : memref<!tpu.dma_semaphore, #tpu.memory_space<semaphore_mem>>) src(%arg3 : memref<16xi32, #tpu.memory_space<hbm>>) dst(%arg7 : memref<16xi32, #tpu.memory_space<vmem>>)
      tpu.yield
    }) : () -> ()
    %get3A = arith.constant 0 : index
    %get3A_296 = tpu.vector_load %arg7[%get3A] {strides = array<i32>} : memref<16xi32, #tpu.memory_space<vmem>>, vector<16xi32>,
    %get3A_297 = vector.shape_cast %get3A_296 : vector<16xi32> to vector<16xi32>
    %iota3A = tpu.iota {dimensions = array<i32: 0>} : vector<16xi32>
    %add3A_298 = arith.constant 0 : i32
    %add3A_299 = vector.broadcast %add3A_298 : i32 to vector<16xi32>
    %add3A_300 = arith.addi %iota3A, %add3A_299 : vector<16xi32>
    %shift_right_arithmetic3A = arith.constant 3 : i32
    %shift_right_arithmetic3A_301 = vector.broadcast %shift_right_arithmetic3A : i32 to vector<16xi32>
    %shift_right_arithmetic3A_302 = arith.shrsi %add3A_300, %shift_right_arithmetic3A_301 : vector<16xi32>
    %mul3A_303 = arith.constant 4 : i32
    %mul3A_304 = arith.muli %add3A, %mul3A_303 : i32
    %add3A_305 = vector.broadcast %mul3A_304 : i32 to vector<16xi32>
    %add3A_306 = arith.addi %add3A_305, %shift_right_arithmetic3A_302 : vector<16xi32>
    %mul3A_307 = arith.constant 2048 : i32
    %mul3A_308 = vector.broadcast %mul3A_307 : i32 to vector<16xi32>
    %mul3A_309 = arith.muli %add3A_306, %mul3A_308 : vector<16xi32>
    %add3A_310 = arith.addi %mul3A_309, %get3A_297 : vector<16xi32>
    %swap3A = arith.constant 0 : index
    %swap3A_311 = tpu.vector_load %arg8[%swap3A] {strides = array<i32>} : memref<32xi32, #tpu.memory_space<vmem>>, vector<16xi32>,
    %swap3A_312 = vector.shape_cast %swap3A_311 : vector<16xi32> to vector<16xi32>
    %swap3A_313 = vector.shape_cast %add3A_310 : vector<16xi32> to vector<16xi32>
    tpu.vector_store %arg8[%swap3A], %swap3A_313 {strides = array<i32>} : memref<32xi32, #tpu.memory_space<vmem>>, vector<16xi32>,
    %iota3A_314 = tpu.iota {dimensions = array<i32: 0>} : vector<16xi32>
    %add3A_315 = arith.constant 16 : i32
    %add3A_316 = vector.broadcast %add3A_315 : i32 to vector<16xi32>
    %add3A_317 = arith.addi %iota3A_314, %add3A_316 : vector<16xi32>
    %shift_right_arithmetic3A_318 = arith.constant 3 : i32
    %shift_right_arithmetic3A_319 = vector.broadcast %shift_right_arithmetic3A_318 : i32 to vector<16xi32>
    %shift_right_arithmetic3A_320 = arith.shrsi %add3A_317, %shift_right_arithmetic3A_319 : vector<16xi32>
    %mul3A_321 = arith.constant 4 : i32
    %mul3A_322 = arith.muli %add3A, %mul3A_321 : i32
    %add3A_323 = vector.broadcast %mul3A_322 : i32 to vector<16xi32>
    %add3A_324 = arith.addi %add3A_323, %shift_right_arithmetic3A_320 : vector<16xi32>
    %mul3A_325 = arith.constant 2048 : i32
    %mul3A_326 = vector.broadcast %mul3A_325 : i32 to vector<16xi32>
    %mul3A_327 = arith.muli %add3A_324, %mul3A_326 : vector<16xi32>
    %add3A_328 = arith.addi %mul3A_327, %get3A_297 : vector<16xi32>
    %swap3A_329 = arith.constant 16 : index
    %swap3A_330 = tpu.vector_load %arg8[%swap3A_329] {strides = array<i32>} : memref<32xi32, #tpu.memory_space<vmem>>, vector<16xi32>,
    %swap3A_331 = vector.shape_cast %swap3A_330 : vector<16xi32> to vector<16xi32>
    %swap3A_332 = vector.shape_cast %add3A_328 : vector<16xi32> to vector<16xi32>
    tpu.vector_store %arg8[%swap3A_329], %swap3A_332 {strides = array<i32>} : memref<32xi32, #tpu.memory_space<vmem>>, vector<16xi32>,
    %dma_wait3A_333 = arith.constant 0 : i32
    %dma_wait3A_334 = tpu.memref_slice %arg4[%add3A_215, %dma_wait3A_333] : memref<524288x128xf32, #tpu.memory_space<hbm>> -> memref<256x128xf32, #tpu.memory_space<hbm>>
    %dma_wait3A_335 = arith.constant 0 : i32
    %dma_wait3A_336 = tpu.memref_slice %arg4[%add3A_215, %dma_wait3A_335] : memref<524288x128xf32, #tpu.memory_space<hbm>> -> memref<256x128xf32, #tpu.memory_space<hbm>>
    tpu.wait_dma2 semaphore(%arg9 : memref<!tpu.dma_semaphore, #tpu.memory_space<semaphore_mem>>) src(%arg5 : memref<256x128xf32, #tpu.memory_space<vmem>>) dst(%dma_wait3A_336 : memref<256x128xf32, #tpu.memory_space<hbm>>)
    %dma_wait3A_337 = arith.constant 0 : i32
    %dma_wait3A_338 = tpu.memref_slice %arg4[%add3A_225, %dma_wait3A_337] : memref<524288x128xf32, #tpu.memory_space<hbm>> -> memref<256x128xf32, #tpu.memory_space<hbm>>
    %dma_wait3A_339 = arith.constant 0 : i32
    %dma_wait3A_340 = tpu.memref_slice %arg4[%add3A_225, %dma_wait3A_339] : memref<524288x128xf32, #tpu.memory_space<hbm>> -> memref<256x128xf32, #tpu.memory_space<hbm>>
    tpu.wait_dma2 semaphore(%arg9 : memref<!tpu.dma_semaphore, #tpu.memory_space<semaphore_mem>>) src(%arg5 : memref<256x128xf32, #tpu.memory_space<vmem>>) dst(%dma_wait3A_340 : memref<256x128xf32, #tpu.memory_space<hbm>>)
    %dma_wait3A_341 = arith.constant 0 : i32
    %dma_wait3A_342 = tpu.memref_slice %arg4[%add3A_235, %dma_wait3A_341] : memref<524288x128xf32, #tpu.memory_space<hbm>> -> memref<256x128xf32, #tpu.memory_space<hbm>>
    %dma_wait3A_343 = arith.constant 0 : i32
    %dma_wait3A_344 = tpu.memref_slice %arg4[%add3A_235, %dma_wait3A_343] : memref<524288x128xf32, #tpu.memory_space<hbm>> -> memref<256x128xf32, #tpu.memory_space<hbm>>
    tpu.wait_dma2 semaphore(%arg9 : memref<!tpu.dma_semaphore, #tpu.memory_space<semaphore_mem>>) src(%arg5 : memref<256x128xf32, #tpu.memory_space<vmem>>) dst(%dma_wait3A_344 : memref<256x128xf32, #tpu.memory_space<hbm>>)
    %dma_wait3A_345 = arith.constant 0 : i32
    %dma_wait3A_346 = tpu.memref_slice %arg4[%add3A_245, %dma_wait3A_345] : memref<524288x128xf32, #tpu.memory_space<hbm>> -> memref<256x128xf32, #tpu.memory_space<hbm>>
    %dma_wait3A_347 = arith.constant 0 : i32
    %dma_wait3A_348 = tpu.memref_slice %arg4[%add3A_245, %dma_wait3A_347] : memref<524288x128xf32, #tpu.memory_space<hbm>> -> memref<256x128xf32, #tpu.memory_space<hbm>>
    tpu.wait_dma2 semaphore(%arg9 : memref<!tpu.dma_semaphore, #tpu.memory_space<semaphore_mem>>) src(%arg5 : memref<256x128xf32, #tpu.memory_space<vmem>>) dst(%dma_wait3A_348 : memref<256x128xf32, #tpu.memory_space<hbm>>)
    %dma_wait3A_349 = arith.constant 0 : i32
    %dma_wait3A_350 = tpu.memref_slice %arg4[%add3A_255, %dma_wait3A_349] : memref<524288x128xf32, #tpu.memory_space<hbm>> -> memref<256x128xf32, #tpu.memory_space<hbm>>
    %dma_wait3A_351 = arith.constant 0 : i32
    %dma_wait3A_352 = tpu.memref_slice %arg4[%add3A_255, %dma_wait3A_351] : memref<524288x128xf32, #tpu.memory_space<hbm>> -> memref<256x128xf32, #tpu.memory_space<hbm>>
    tpu.wait_dma2 semaphore(%arg9 : memref<!tpu.dma_semaphore, #tpu.memory_space<semaphore_mem>>) src(%arg5 : memref<256x128xf32, #tpu.memory_space<vmem>>) dst(%dma_wait3A_352 : memref<256x128xf32, #tpu.memory_space<hbm>>)
    %dma_wait3A_353 = arith.constant 0 : i32
    %dma_wait3A_354 = tpu.memref_slice %arg4[%add3A_265, %dma_wait3A_353] : memref<524288x128xf32, #tpu.memory_space<hbm>> -> memref<256x128xf32, #tpu.memory_space<hbm>>
    %dma_wait3A_355 = arith.constant 0 : i32
    %dma_wait3A_356 = tpu.memref_slice %arg4[%add3A_265, %dma_wait3A_355] : memref<524288x128xf32, #tpu.memory_space<hbm>> -> memref<256x128xf32, #tpu.memory_space<hbm>>
    tpu.wait_dma2 semaphore(%arg9 : memref<!tpu.dma_semaphore, #tpu.memory_space<semaphore_mem>>) src(%arg5 : memref<256x128xf32, #tpu.memory_space<vmem>>) dst(%dma_wait3A_356 : memref<256x128xf32, #tpu.memory_space<hbm>>)
    %dma_wait3A_357 = arith.constant 0 : i32
    %dma_wait3A_358 = tpu.memref_slice %arg4[%add3A_275, %dma_wait3A_357] : memref<524288x128xf32, #tpu.memory_space<hbm>> -> memref<256x128xf32, #tpu.memory_space<hbm>>
    %dma_wait3A_359 = arith.constant 0 : i32
    %dma_wait3A_360 = tpu.memref_slice %arg4[%add3A_275, %dma_wait3A_359] : memref<524288x128xf32, #tpu.memory_space<hbm>> -> memref<256x128xf32, #tpu.memory_space<hbm>>
    tpu.wait_dma2 semaphore(%arg9 : memref<!tpu.dma_semaphore, #tpu.memory_space<semaphore_mem>>) src(%arg5 : memref<256x128xf32, #tpu.memory_space<vmem>>) dst(%dma_wait3A_360 : memref<256x128xf32, #tpu.memory_space<hbm>>)
    %dma_wait3A_361 = arith.constant 0 : i32
    %dma_wait3A_362 = tpu.memref_slice %arg4[%add3A_285, %dma_wait3A_361] : memref<524288x128xf32, #tpu.memory_space<hbm>> -> memref<256x128xf32, #tpu.memory_space<hbm>>
    %dma_wait3A_363 = arith.constant 0 : i32
    %dma_wait3A_364 = tpu.memref_slice %arg4[%add3A_285, %dma_wait3A_363] : memref<524288x128xf32, #tpu.memory_space<hbm>> -> memref<256x128xf32, #tpu.memory_space<hbm>>
    tpu.wait_dma2 semaphore(%arg9 : memref<!tpu.dma_semaphore, #tpu.memory_space<semaphore_mem>>) src(%arg5 : memref<256x128xf32, #tpu.memory_space<vmem>>) dst(%dma_wait3A_364 : memref<256x128xf32, #tpu.memory_space<hbm>>)
    %dma_start3A_365 = arith.constant 0 : i32
    %dma_start3A_366 = arith.constant 0 : i32
    %dma_start3A_367 = tpu.memref_slice %arg4[%dma_start3A_365, %dma_start3A_366] : memref<524288x128xf32, #tpu.memory_space<hbm>> -> memref<524288x128xf32, #tpu.memory_space<hbm>>
    tpu.enqueue_indirect_dma source(%arg6 : memref<32x128xf32, #tpu.memory_space<vmem>>) target(%dma_start3A_367 : memref<524288x128xf32, #tpu.memory_space<hbm>>) offsets(%arg8 : memref<32xi32, #tpu.memory_space<vmem>>) semaphore(%arg10 : memref<!tpu.dma_semaphore, #tpu.memory_space<semaphore_mem>>)
    %dma_wait3A_368 = arith.constant 0 : i32
    %dma_wait3A_369 = arith.constant 0 : i32
    %dma_wait3A_370 = tpu.memref_slice %arg4[%dma_wait3A_368, %dma_wait3A_369] : memref<524288x128xf32, #tpu.memory_space<hbm>> -> memref<524288x128xf32, #tpu.memory_space<hbm>>
    tpu.wait_indirect_dma semaphore(%arg10 : memref<!tpu.dma_semaphore, #tpu.memory_space<semaphore_mem>>) src(%arg6 : memref<32x128xf32, #tpu.memory_space<vmem>>) dst(%dma_wait3A_370 : memref<524288x128xf32, #tpu.memory_space<hbm>>)
    return
  }
}

module attributes {stable_mosaic.version = 14 : i64} {
  func.func @body(%arg0: i32, %arg1: memref<8xi32, #tpu.memory_space<smem>>, %arg2: memref<128x128xf32, #tpu.memory_space<vmem>>, %arg3: memref<524288x128xf32, #tpu.memory_space<hbm>>, %arg4: memref<32768x128xf32, #tpu.memory_space<vmem>>) attributes {dimension_semantics = [#tpu.dimension_semantics<arbitrary>], iteration_bounds = array<i64: 8>, scalar_prefetch = 0 : i64, scratch_operands = 0 : i64, tpu.core_type = #tpu.core_type<tc>, window_params = [{transform_indices = @transform_0, window_bounds = array<i64: 8>}, {transform_indices = @transform_1, window_bounds = array<i64: 128, 128>}, {}, {transform_indices = @transform_3, window_bounds = array<i64: 32768, 128>}]} {
    %broadcast_in_dim3A = arith.constant 0.000000e+00 : f32
    %broadcast_in_dim3A_0 = vector.broadcast %broadcast_in_dim3A : f32 to vector<32768x128xf32>
    %swap3A = arith.constant 0 : index
    %swap3A_1 = arith.constant 0 : index
    %swap3A_2 = vector.load %arg4[%swap3A, %swap3A_1] : memref<32768x128xf32, #tpu.memory_space<vmem>>, vector<32768x128xf32>
    tpu.vector_store %arg4[%swap3A, %swap3A_1], %broadcast_in_dim3A_0 {strides = array<i32>} : memref<32768x128xf32, #tpu.memory_space<vmem>>, vector<32768x128xf32>,
    %get3A = arith.constant 0 : index
    %get3A_3 = memref.load %arg1[%get3A] : memref<8xi32, #tpu.memory_space<smem>>
    %get3A_4 = arith.constant 0 : index
    %get3A_5 = arith.constant 0 : index
    %get3A_6 = vector.load %arg2[%get3A_4, %get3A_5] : memref<128x128xf32, #tpu.memory_space<vmem>>, vector<1x128xf32>
    %add3A = arith.constant 0 : i32
    %add3A_7 = arith.addi %add3A, %get3A_3 : i32
    %swap3A_8 = arith.index_cast %add3A_7 : i32 to index
    %swap3A_9 = arith.constant 0 : index
    %swap3A_10 = vector.load %arg4[%swap3A_8, %swap3A_9] : memref<32768x128xf32, #tpu.memory_space<vmem>>, vector<1x128xf32>
    tpu.vector_store %arg4[%swap3A_8, %swap3A_9], %get3A_6 {strides = array<i32>} : memref<32768x128xf32, #tpu.memory_space<vmem>>, vector<1x128xf32>,
    %get3A_11 = arith.constant 1 : index
    %get3A_12 = memref.load %arg1[%get3A_11] : memref<8xi32, #tpu.memory_space<smem>>
    %get3A_13 = arith.constant 1 : index
    %get3A_14 = arith.constant 0 : index
    %get3A_15 = vector.load %arg2[%get3A_13, %get3A_14] : memref<128x128xf32, #tpu.memory_space<vmem>>, vector<1x128xf32>
    %add3A_16 = arith.constant 0 : i32
    %add3A_17 = arith.addi %add3A_16, %get3A_12 : i32
    %swap3A_18 = arith.index_cast %add3A_17 : i32 to index
    %swap3A_19 = arith.constant 0 : index
    %swap3A_20 = vector.load %arg4[%swap3A_18, %swap3A_19] : memref<32768x128xf32, #tpu.memory_space<vmem>>, vector<1x128xf32>
    tpu.vector_store %arg4[%swap3A_18, %swap3A_19], %get3A_15 {strides = array<i32>} : memref<32768x128xf32, #tpu.memory_space<vmem>>, vector<1x128xf32>,
    %get3A_21 = arith.constant 2 : index
    %get3A_22 = memref.load %arg1[%get3A_21] : memref<8xi32, #tpu.memory_space<smem>>
    %get3A_23 = arith.constant 2 : index
    %get3A_24 = arith.constant 0 : index
    %get3A_25 = vector.load %arg2[%get3A_23, %get3A_24] : memref<128x128xf32, #tpu.memory_space<vmem>>, vector<1x128xf32>
    %add3A_26 = arith.constant 0 : i32
    %add3A_27 = arith.addi %add3A_26, %get3A_22 : i32
    %swap3A_28 = arith.index_cast %add3A_27 : i32 to index
    %swap3A_29 = arith.constant 0 : index
    %swap3A_30 = vector.load %arg4[%swap3A_28, %swap3A_29] : memref<32768x128xf32, #tpu.memory_space<vmem>>, vector<1x128xf32>
    tpu.vector_store %arg4[%swap3A_28, %swap3A_29], %get3A_25 {strides = array<i32>} : memref<32768x128xf32, #tpu.memory_space<vmem>>, vector<1x128xf32>,
    %get3A_31 = arith.constant 3 : index
    %get3A_32 = memref.load %arg1[%get3A_31] : memref<8xi32, #tpu.memory_space<smem>>
    %get3A_33 = arith.constant 3 : index
    %get3A_34 = arith.constant 0 : index
    %get3A_35 = vector.load %arg2[%get3A_33, %get3A_34] : memref<128x128xf32, #tpu.memory_space<vmem>>, vector<1x128xf32>
    %add3A_36 = arith.constant 0 : i32
    %add3A_37 = arith.addi %add3A_36, %get3A_32 : i32
    %swap3A_38 = arith.index_cast %add3A_37 : i32 to index
    %swap3A_39 = arith.constant 0 : index
    %swap3A_40 = vector.load %arg4[%swap3A_38, %swap3A_39] : memref<32768x128xf32, #tpu.memory_space<vmem>>, vector<1x128xf32>
    tpu.vector_store %arg4[%swap3A_38, %swap3A_39], %get3A_35 {strides = array<i32>} : memref<32768x128xf32, #tpu.memory_space<vmem>>, vector<1x128xf32>,
    %get3A_41 = arith.constant 4 : index
    %get3A_42 = memref.load %arg1[%get3A_41] : memref<8xi32, #tpu.memory_space<smem>>
    %get3A_43 = arith.constant 4 : index
    %get3A_44 = arith.constant 0 : index
    %get3A_45 = vector.load %arg2[%get3A_43, %get3A_44] : memref<128x128xf32, #tpu.memory_space<vmem>>, vector<1x128xf32>
    %add3A_46 = arith.constant 0 : i32
    %add3A_47 = arith.addi %add3A_46, %get3A_42 : i32
    %swap3A_48 = arith.index_cast %add3A_47 : i32 to index
    %swap3A_49 = arith.constant 0 : index
    %swap3A_50 = vector.load %arg4[%swap3A_48, %swap3A_49] : memref<32768x128xf32, #tpu.memory_space<vmem>>, vector<1x128xf32>
    tpu.vector_store %arg4[%swap3A_48, %swap3A_49], %get3A_45 {strides = array<i32>} : memref<32768x128xf32, #tpu.memory_space<vmem>>, vector<1x128xf32>,
    %get3A_51 = arith.constant 5 : index
    %get3A_52 = memref.load %arg1[%get3A_51] : memref<8xi32, #tpu.memory_space<smem>>
    %get3A_53 = arith.constant 5 : index
    %get3A_54 = arith.constant 0 : index
    %get3A_55 = vector.load %arg2[%get3A_53, %get3A_54] : memref<128x128xf32, #tpu.memory_space<vmem>>, vector<1x128xf32>
    %add3A_56 = arith.constant 0 : i32
    %add3A_57 = arith.addi %add3A_56, %get3A_52 : i32
    %swap3A_58 = arith.index_cast %add3A_57 : i32 to index
    %swap3A_59 = arith.constant 0 : index
    %swap3A_60 = vector.load %arg4[%swap3A_58, %swap3A_59] : memref<32768x128xf32, #tpu.memory_space<vmem>>, vector<1x128xf32>
    tpu.vector_store %arg4[%swap3A_58, %swap3A_59], %get3A_55 {strides = array<i32>} : memref<32768x128xf32, #tpu.memory_space<vmem>>, vector<1x128xf32>,
    %get3A_61 = arith.constant 6 : index
    %get3A_62 = memref.load %arg1[%get3A_61] : memref<8xi32, #tpu.memory_space<smem>>
    %get3A_63 = arith.constant 6 : index
    %get3A_64 = arith.constant 0 : index
    %get3A_65 = vector.load %arg2[%get3A_63, %get3A_64] : memref<128x128xf32, #tpu.memory_space<vmem>>, vector<1x128xf32>
    %add3A_66 = arith.constant 0 : i32
    %add3A_67 = arith.addi %add3A_66, %get3A_62 : i32
    %swap3A_68 = arith.index_cast %add3A_67 : i32 to index
    %swap3A_69 = arith.constant 0 : index
    %swap3A_70 = vector.load %arg4[%swap3A_68, %swap3A_69] : memref<32768x128xf32, #tpu.memory_space<vmem>>, vector<1x128xf32>
    tpu.vector_store %arg4[%swap3A_68, %swap3A_69], %get3A_65 {strides = array<i32>} : memref<32768x128xf32, #tpu.memory_space<vmem>>, vector<1x128xf32>,
    %get3A_71 = arith.constant 7 : index
    %get3A_72 = memref.load %arg1[%get3A_71] : memref<8xi32, #tpu.memory_space<smem>>
    %get3A_73 = arith.constant 7 : index
    %get3A_74 = arith.constant 0 : index
    %get3A_75 = vector.load %arg2[%get3A_73, %get3A_74] : memref<128x128xf32, #tpu.memory_space<vmem>>, vector<1x128xf32>
    %add3A_76 = arith.constant 0 : i32
    %add3A_77 = arith.addi %add3A_76, %get3A_72 : i32
    %swap3A_78 = arith.index_cast %add3A_77 : i32 to index
    %swap3A_79 = arith.constant 0 : index
    %swap3A_80 = vector.load %arg4[%swap3A_78, %swap3A_79] : memref<32768x128xf32, #tpu.memory_space<vmem>>, vector<1x128xf32>
    tpu.vector_store %arg4[%swap3A_78, %swap3A_79], %get3A_75 {strides = array<i32>} : memref<32768x128xf32, #tpu.memory_space<vmem>>, vector<1x128xf32>,
    %get3A_81 = arith.constant 0 : index
    %get3A_82 = memref.load %arg1[%get3A_81] : memref<8xi32, #tpu.memory_space<smem>>
    %get3A_83 = arith.constant 8 : index
    %get3A_84 = arith.constant 0 : index
    %get3A_85 = vector.load %arg2[%get3A_83, %get3A_84] : memref<128x128xf32, #tpu.memory_space<vmem>>, vector<1x128xf32>
    %add3A_86 = arith.constant 2048 : i32
    %add3A_87 = arith.addi %add3A_86, %get3A_82 : i32
    %swap3A_88 = arith.index_cast %add3A_87 : i32 to index
    %swap3A_89 = arith.constant 0 : index
    %swap3A_90 = vector.load %arg4[%swap3A_88, %swap3A_89] : memref<32768x128xf32, #tpu.memory_space<vmem>>, vector<1x128xf32>
    tpu.vector_store %arg4[%swap3A_88, %swap3A_89], %get3A_85 {strides = array<i32>} : memref<32768x128xf32, #tpu.memory_space<vmem>>, vector<1x128xf32>,
    %get3A_91 = arith.constant 1 : index
    %get3A_92 = memref.load %arg1[%get3A_91] : memref<8xi32, #tpu.memory_space<smem>>
    %get3A_93 = arith.constant 9 : index
    %get3A_94 = arith.constant 0 : index
    %get3A_95 = vector.load %arg2[%get3A_93, %get3A_94] : memref<128x128xf32, #tpu.memory_space<vmem>>, vector<1x128xf32>
    %add3A_96 = arith.constant 2048 : i32
    %add3A_97 = arith.addi %add3A_96, %get3A_92 : i32
    %swap3A_98 = arith.index_cast %add3A_97 : i32 to index
    %swap3A_99 = arith.constant 0 : index
    %swap3A_100 = vector.load %arg4[%swap3A_98, %swap3A_99] : memref<32768x128xf32, #tpu.memory_space<vmem>>, vector<1x128xf32>
    tpu.vector_store %arg4[%swap3A_98, %swap3A_99], %get3A_95 {strides = array<i32>} : memref<32768x128xf32, #tpu.memory_space<vmem>>, vector<1x128xf32>,
    %get3A_101 = arith.constant 2 : index
    %get3A_102 = memref.load %arg1[%get3A_101] : memref<8xi32, #tpu.memory_space<smem>>
    %get3A_103 = arith.constant 10 : index
    %get3A_104 = arith.constant 0 : index
    %get3A_105 = vector.load %arg2[%get3A_103, %get3A_104] : memref<128x128xf32, #tpu.memory_space<vmem>>, vector<1x128xf32>
    %add3A_106 = arith.constant 2048 : i32
    %add3A_107 = arith.addi %add3A_106, %get3A_102 : i32
    %swap3A_108 = arith.index_cast %add3A_107 : i32 to index
    %swap3A_109 = arith.constant 0 : index
    %swap3A_110 = vector.load %arg4[%swap3A_108, %swap3A_109] : memref<32768x128xf32, #tpu.memory_space<vmem>>, vector<1x128xf32>
    tpu.vector_store %arg4[%swap3A_108, %swap3A_109], %get3A_105 {strides = array<i32>} : memref<32768x128xf32, #tpu.memory_space<vmem>>, vector<1x128xf32>,
    %get3A_111 = arith.constant 3 : index
    %get3A_112 = memref.load %arg1[%get3A_111] : memref<8xi32, #tpu.memory_space<smem>>
    %get3A_113 = arith.constant 11 : index
    %get3A_114 = arith.constant 0 : index
    %get3A_115 = vector.load %arg2[%get3A_113, %get3A_114] : memref<128x128xf32, #tpu.memory_space<vmem>>, vector<1x128xf32>
    %add3A_116 = arith.constant 2048 : i32
    %add3A_117 = arith.addi %add3A_116, %get3A_112 : i32
    %swap3A_118 = arith.index_cast %add3A_117 : i32 to index
    %swap3A_119 = arith.constant 0 : index
    %swap3A_120 = vector.load %arg4[%swap3A_118, %swap3A_119] : memref<32768x128xf32, #tpu.memory_space<vmem>>, vector<1x128xf32>
    tpu.vector_store %arg4[%swap3A_118, %swap3A_119], %get3A_115 {strides = array<i32>} : memref<32768x128xf32, #tpu.memory_space<vmem>>, vector<1x128xf32>,
    %get3A_121 = arith.constant 4 : index
    %get3A_122 = memref.load %arg1[%get3A_121] : memref<8xi32, #tpu.memory_space<smem>>
    %get3A_123 = arith.constant 12 : index
    %get3A_124 = arith.constant 0 : index
    %get3A_125 = vector.load %arg2[%get3A_123, %get3A_124] : memref<128x128xf32, #tpu.memory_space<vmem>>, vector<1x128xf32>
    %add3A_126 = arith.constant 2048 : i32
    %add3A_127 = arith.addi %add3A_126, %get3A_122 : i32
    %swap3A_128 = arith.index_cast %add3A_127 : i32 to index
    %swap3A_129 = arith.constant 0 : index
    %swap3A_130 = vector.load %arg4[%swap3A_128, %swap3A_129] : memref<32768x128xf32, #tpu.memory_space<vmem>>, vector<1x128xf32>
    tpu.vector_store %arg4[%swap3A_128, %swap3A_129], %get3A_125 {strides = array<i32>} : memref<32768x128xf32, #tpu.memory_space<vmem>>, vector<1x128xf32>,
    %get3A_131 = arith.constant 5 : index
    %get3A_132 = memref.load %arg1[%get3A_131] : memref<8xi32, #tpu.memory_space<smem>>
    %get3A_133 = arith.constant 13 : index
    %get3A_134 = arith.constant 0 : index
    %get3A_135 = vector.load %arg2[%get3A_133, %get3A_134] : memref<128x128xf32, #tpu.memory_space<vmem>>, vector<1x128xf32>
    %add3A_136 = arith.constant 2048 : i32
    %add3A_137 = arith.addi %add3A_136, %get3A_132 : i32
    %swap3A_138 = arith.index_cast %add3A_137 : i32 to index
    %swap3A_139 = arith.constant 0 : index
    %swap3A_140 = vector.load %arg4[%swap3A_138, %swap3A_139] : memref<32768x128xf32, #tpu.memory_space<vmem>>, vector<1x128xf32>
    tpu.vector_store %arg4[%swap3A_138, %swap3A_139], %get3A_135 {strides = array<i32>} : memref<32768x128xf32, #tpu.memory_space<vmem>>, vector<1x128xf32>,
    %get3A_141 = arith.constant 6 : index
    %get3A_142 = memref.load %arg1[%get3A_141] : memref<8xi32, #tpu.memory_space<smem>>
    %get3A_143 = arith.constant 14 : index
    %get3A_144 = arith.constant 0 : index
    %get3A_145 = vector.load %arg2[%get3A_143, %get3A_144] : memref<128x128xf32, #tpu.memory_space<vmem>>, vector<1x128xf32>
    %add3A_146 = arith.constant 2048 : i32
    %add3A_147 = arith.addi %add3A_146, %get3A_142 : i32
    %swap3A_148 = arith.index_cast %add3A_147 : i32 to index
    %swap3A_149 = arith.constant 0 : index
    %swap3A_150 = vector.load %arg4[%swap3A_148, %swap3A_149] : memref<32768x128xf32, #tpu.memory_space<vmem>>, vector<1x128xf32>
    tpu.vector_store %arg4[%swap3A_148, %swap3A_149], %get3A_145 {strides = array<i32>} : memref<32768x128xf32, #tpu.memory_space<vmem>>, vector<1x128xf32>,
    %get3A_151 = arith.constant 7 : index
    %get3A_152 = memref.load %arg1[%get3A_151] : memref<8xi32, #tpu.memory_space<smem>>
    %get3A_153 = arith.constant 15 : index
    %get3A_154 = arith.constant 0 : index
    %get3A_155 = vector.load %arg2[%get3A_153, %get3A_154] : memref<128x128xf32, #tpu.memory_space<vmem>>, vector<1x128xf32>
    %add3A_156 = arith.constant 2048 : i32
    %add3A_157 = arith.addi %add3A_156, %get3A_152 : i32
    %swap3A_158 = arith.index_cast %add3A_157 : i32 to index
    %swap3A_159 = arith.constant 0 : index
    %swap3A_160 = vector.load %arg4[%swap3A_158, %swap3A_159] : memref<32768x128xf32, #tpu.memory_space<vmem>>, vector<1x128xf32>
    tpu.vector_store %arg4[%swap3A_158, %swap3A_159], %get3A_155 {strides = array<i32>} : memref<32768x128xf32, #tpu.memory_space<vmem>>, vector<1x128xf32>,
    %get3A_161 = arith.constant 0 : index
    %get3A_162 = memref.load %arg1[%get3A_161] : memref<8xi32, #tpu.memory_space<smem>>
    %get3A_163 = arith.constant 16 : index
    %get3A_164 = arith.constant 0 : index
    %get3A_165 = vector.load %arg2[%get3A_163, %get3A_164] : memref<128x128xf32, #tpu.memory_space<vmem>>, vector<1x128xf32>
    %add3A_166 = arith.constant 4096 : i32
    %add3A_167 = arith.addi %add3A_166, %get3A_162 : i32
    %swap3A_168 = arith.index_cast %add3A_167 : i32 to index
    %swap3A_169 = arith.constant 0 : index
    %swap3A_170 = vector.load %arg4[%swap3A_168, %swap3A_169] : memref<32768x128xf32, #tpu.memory_space<vmem>>, vector<1x128xf32>
    tpu.vector_store %arg4[%swap3A_168, %swap3A_169], %get3A_165 {strides = array<i32>} : memref<32768x128xf32, #tpu.memory_space<vmem>>, vector<1x128xf32>,
    %get3A_171 = arith.constant 1 : index
    %get3A_172 = memref.load %arg1[%get3A_171] : memref<8xi32, #tpu.memory_space<smem>>
    %get3A_173 = arith.constant 17 : index
    %get3A_174 = arith.constant 0 : index
    %get3A_175 = vector.load %arg2[%get3A_173, %get3A_174] : memref<128x128xf32, #tpu.memory_space<vmem>>, vector<1x128xf32>
    %add3A_176 = arith.constant 4096 : i32
    %add3A_177 = arith.addi %add3A_176, %get3A_172 : i32
    %swap3A_178 = arith.index_cast %add3A_177 : i32 to index
    %swap3A_179 = arith.constant 0 : index
    %swap3A_180 = vector.load %arg4[%swap3A_178, %swap3A_179] : memref<32768x128xf32, #tpu.memory_space<vmem>>, vector<1x128xf32>
    tpu.vector_store %arg4[%swap3A_178, %swap3A_179], %get3A_175 {strides = array<i32>} : memref<32768x128xf32, #tpu.memory_space<vmem>>, vector<1x128xf32>,
    %get3A_181 = arith.constant 2 : index
    %get3A_182 = memref.load %arg1[%get3A_181] : memref<8xi32, #tpu.memory_space<smem>>
    %get3A_183 = arith.constant 18 : index
    %get3A_184 = arith.constant 0 : index
    %get3A_185 = vector.load %arg2[%get3A_183, %get3A_184] : memref<128x128xf32, #tpu.memory_space<vmem>>, vector<1x128xf32>
    %add3A_186 = arith.constant 4096 : i32
    %add3A_187 = arith.addi %add3A_186, %get3A_182 : i32
    %swap3A_188 = arith.index_cast %add3A_187 : i32 to index
    %swap3A_189 = arith.constant 0 : index
    %swap3A_190 = vector.load %arg4[%swap3A_188, %swap3A_189] : memref<32768x128xf32, #tpu.memory_space<vmem>>, vector<1x128xf32>
    tpu.vector_store %arg4[%swap3A_188, %swap3A_189], %get3A_185 {strides = array<i32>} : memref<32768x128xf32, #tpu.memory_space<vmem>>, vector<1x128xf32>,
    %get3A_191 = arith.constant 3 : index
    %get3A_192 = memref.load %arg1[%get3A_191] : memref<8xi32, #tpu.memory_space<smem>>
    %get3A_193 = arith.constant 19 : index
    %get3A_194 = arith.constant 0 : index
    %get3A_195 = vector.load %arg2[%get3A_193, %get3A_194] : memref<128x128xf32, #tpu.memory_space<vmem>>, vector<1x128xf32>
    %add3A_196 = arith.constant 4096 : i32
    %add3A_197 = arith.addi %add3A_196, %get3A_192 : i32
    %swap3A_198 = arith.index_cast %add3A_197 : i32 to index
    %swap3A_199 = arith.constant 0 : index
    %swap3A_200 = vector.load %arg4[%swap3A_198, %swap3A_199] : memref<32768x128xf32, #tpu.memory_space<vmem>>, vector<1x128xf32>
    tpu.vector_store %arg4[%swap3A_198, %swap3A_199], %get3A_195 {strides = array<i32>} : memref<32768x128xf32, #tpu.memory_space<vmem>>, vector<1x128xf32>,
    %get3A_201 = arith.constant 4 : index
    %get3A_202 = memref.load %arg1[%get3A_201] : memref<8xi32, #tpu.memory_space<smem>>
    %get3A_203 = arith.constant 20 : index
    %get3A_204 = arith.constant 0 : index
    %get3A_205 = vector.load %arg2[%get3A_203, %get3A_204] : memref<128x128xf32, #tpu.memory_space<vmem>>, vector<1x128xf32>
    %add3A_206 = arith.constant 4096 : i32
    %add3A_207 = arith.addi %add3A_206, %get3A_202 : i32
    %swap3A_208 = arith.index_cast %add3A_207 : i32 to index
    %swap3A_209 = arith.constant 0 : index
    %swap3A_210 = vector.load %arg4[%swap3A_208, %swap3A_209] : memref<32768x128xf32, #tpu.memory_space<vmem>>, vector<1x128xf32>
    tpu.vector_store %arg4[%swap3A_208, %swap3A_209], %get3A_205 {strides = array<i32>} : memref<32768x128xf32, #tpu.memory_space<vmem>>, vector<1x128xf32>,
    %get3A_211 = arith.constant 5 : index
    %get3A_212 = memref.load %arg1[%get3A_211] : memref<8xi32, #tpu.memory_space<smem>>
    %get3A_213 = arith.constant 21 : index
    %get3A_214 = arith.constant 0 : index
    %get3A_215 = vector.load %arg2[%get3A_213, %get3A_214] : memref<128x128xf32, #tpu.memory_space<vmem>>, vector<1x128xf32>
    %add3A_216 = arith.constant 4096 : i32
    %add3A_217 = arith.addi %add3A_216, %get3A_212 : i32
    %swap3A_218 = arith.index_cast %add3A_217 : i32 to index
    %swap3A_219 = arith.constant 0 : index
    %swap3A_220 = vector.load %arg4[%swap3A_218, %swap3A_219] : memref<32768x128xf32, #tpu.memory_space<vmem>>, vector<1x128xf32>
    tpu.vector_store %arg4[%swap3A_218, %swap3A_219], %get3A_215 {strides = array<i32>} : memref<32768x128xf32, #tpu.memory_space<vmem>>, vector<1x128xf32>,
    %get3A_221 = arith.constant 6 : index
    %get3A_222 = memref.load %arg1[%get3A_221] : memref<8xi32, #tpu.memory_space<smem>>
    %get3A_223 = arith.constant 22 : index
    %get3A_224 = arith.constant 0 : index
    %get3A_225 = vector.load %arg2[%get3A_223, %get3A_224] : memref<128x128xf32, #tpu.memory_space<vmem>>, vector<1x128xf32>
    %add3A_226 = arith.constant 4096 : i32
    %add3A_227 = arith.addi %add3A_226, %get3A_222 : i32
    %swap3A_228 = arith.index_cast %add3A_227 : i32 to index
    %swap3A_229 = arith.constant 0 : index
    %swap3A_230 = vector.load %arg4[%swap3A_228, %swap3A_229] : memref<32768x128xf32, #tpu.memory_space<vmem>>, vector<1x128xf32>
    tpu.vector_store %arg4[%swap3A_228, %swap3A_229], %get3A_225 {strides = array<i32>} : memref<32768x128xf32, #tpu.memory_space<vmem>>, vector<1x128xf32>,
    %get3A_231 = arith.constant 7 : index
    %get3A_232 = memref.load %arg1[%get3A_231] : memref<8xi32, #tpu.memory_space<smem>>
    %get3A_233 = arith.constant 23 : index
    %get3A_234 = arith.constant 0 : index
    %get3A_235 = vector.load %arg2[%get3A_233, %get3A_234] : memref<128x128xf32, #tpu.memory_space<vmem>>, vector<1x128xf32>
    %add3A_236 = arith.constant 4096 : i32
    %add3A_237 = arith.addi %add3A_236, %get3A_232 : i32
    %swap3A_238 = arith.index_cast %add3A_237 : i32 to index
    %swap3A_239 = arith.constant 0 : index
    %swap3A_240 = vector.load %arg4[%swap3A_238, %swap3A_239] : memref<32768x128xf32, #tpu.memory_space<vmem>>, vector<1x128xf32>
    tpu.vector_store %arg4[%swap3A_238, %swap3A_239], %get3A_235 {strides = array<i32>} : memref<32768x128xf32, #tpu.memory_space<vmem>>, vector<1x128xf32>,
    %get3A_241 = arith.constant 0 : index
    %get3A_242 = memref.load %arg1[%get3A_241] : memref<8xi32, #tpu.memory_space<smem>>
    %get3A_243 = arith.constant 24 : index
    %get3A_244 = arith.constant 0 : index
    %get3A_245 = vector.load %arg2[%get3A_243, %get3A_244] : memref<128x128xf32, #tpu.memory_space<vmem>>, vector<1x128xf32>
    %add3A_246 = arith.constant 6144 : i32
    %add3A_247 = arith.addi %add3A_246, %get3A_242 : i32
    %swap3A_248 = arith.index_cast %add3A_247 : i32 to index
    %swap3A_249 = arith.constant 0 : index
    %swap3A_250 = vector.load %arg4[%swap3A_248, %swap3A_249] : memref<32768x128xf32, #tpu.memory_space<vmem>>, vector<1x128xf32>
    tpu.vector_store %arg4[%swap3A_248, %swap3A_249], %get3A_245 {strides = array<i32>} : memref<32768x128xf32, #tpu.memory_space<vmem>>, vector<1x128xf32>,
    %get3A_251 = arith.constant 1 : index
    %get3A_252 = memref.load %arg1[%get3A_251] : memref<8xi32, #tpu.memory_space<smem>>
    %get3A_253 = arith.constant 25 : index
    %get3A_254 = arith.constant 0 : index
    %get3A_255 = vector.load %arg2[%get3A_253, %get3A_254] : memref<128x128xf32, #tpu.memory_space<vmem>>, vector<1x128xf32>
    %add3A_256 = arith.constant 6144 : i32
    %add3A_257 = arith.addi %add3A_256, %get3A_252 : i32
    %swap3A_258 = arith.index_cast %add3A_257 : i32 to index
    %swap3A_259 = arith.constant 0 : index
    %swap3A_260 = vector.load %arg4[%swap3A_258, %swap3A_259] : memref<32768x128xf32, #tpu.memory_space<vmem>>, vector<1x128xf32>
    tpu.vector_store %arg4[%swap3A_258, %swap3A_259], %get3A_255 {strides = array<i32>} : memref<32768x128xf32, #tpu.memory_space<vmem>>, vector<1x128xf32>,
    %get3A_261 = arith.constant 2 : index
    %get3A_262 = memref.load %arg1[%get3A_261] : memref<8xi32, #tpu.memory_space<smem>>
    %get3A_263 = arith.constant 26 : index
    %get3A_264 = arith.constant 0 : index
    %get3A_265 = vector.load %arg2[%get3A_263, %get3A_264] : memref<128x128xf32, #tpu.memory_space<vmem>>, vector<1x128xf32>
    %add3A_266 = arith.constant 6144 : i32
    %add3A_267 = arith.addi %add3A_266, %get3A_262 : i32
    %swap3A_268 = arith.index_cast %add3A_267 : i32 to index
    %swap3A_269 = arith.constant 0 : index
    %swap3A_270 = vector.load %arg4[%swap3A_268, %swap3A_269] : memref<32768x128xf32, #tpu.memory_space<vmem>>, vector<1x128xf32>
    tpu.vector_store %arg4[%swap3A_268, %swap3A_269], %get3A_265 {strides = array<i32>} : memref<32768x128xf32, #tpu.memory_space<vmem>>, vector<1x128xf32>,
    %get3A_271 = arith.constant 3 : index
    %get3A_272 = memref.load %arg1[%get3A_271] : memref<8xi32, #tpu.memory_space<smem>>
    %get3A_273 = arith.constant 27 : index
    %get3A_274 = arith.constant 0 : index
    %get3A_275 = vector.load %arg2[%get3A_273, %get3A_274] : memref<128x128xf32, #tpu.memory_space<vmem>>, vector<1x128xf32>
    %add3A_276 = arith.constant 6144 : i32
    %add3A_277 = arith.addi %add3A_276, %get3A_272 : i32
    %swap3A_278 = arith.index_cast %add3A_277 : i32 to index
    %swap3A_279 = arith.constant 0 : index
    %swap3A_280 = vector.load %arg4[%swap3A_278, %swap3A_279] : memref<32768x128xf32, #tpu.memory_space<vmem>>, vector<1x128xf32>
    tpu.vector_store %arg4[%swap3A_278, %swap3A_279], %get3A_275 {strides = array<i32>} : memref<32768x128xf32, #tpu.memory_space<vmem>>, vector<1x128xf32>,
    %get3A_281 = arith.constant 4 : index
    %get3A_282 = memref.load %arg1[%get3A_281] : memref<8xi32, #tpu.memory_space<smem>>
    %get3A_283 = arith.constant 28 : index
    %get3A_284 = arith.constant 0 : index
    %get3A_285 = vector.load %arg2[%get3A_283, %get3A_284] : memref<128x128xf32, #tpu.memory_space<vmem>>, vector<1x128xf32>
    %add3A_286 = arith.constant 6144 : i32
    %add3A_287 = arith.addi %add3A_286, %get3A_282 : i32
    %swap3A_288 = arith.index_cast %add3A_287 : i32 to index
    %swap3A_289 = arith.constant 0 : index
    %swap3A_290 = vector.load %arg4[%swap3A_288, %swap3A_289] : memref<32768x128xf32, #tpu.memory_space<vmem>>, vector<1x128xf32>
    tpu.vector_store %arg4[%swap3A_288, %swap3A_289], %get3A_285 {strides = array<i32>} : memref<32768x128xf32, #tpu.memory_space<vmem>>, vector<1x128xf32>,
    %get3A_291 = arith.constant 5 : index
    %get3A_292 = memref.load %arg1[%get3A_291] : memref<8xi32, #tpu.memory_space<smem>>
    %get3A_293 = arith.constant 29 : index
    %get3A_294 = arith.constant 0 : index
    %get3A_295 = vector.load %arg2[%get3A_293, %get3A_294] : memref<128x128xf32, #tpu.memory_space<vmem>>, vector<1x128xf32>
    %add3A_296 = arith.constant 6144 : i32
    %add3A_297 = arith.addi %add3A_296, %get3A_292 : i32
    %swap3A_298 = arith.index_cast %add3A_297 : i32 to index
    %swap3A_299 = arith.constant 0 : index
    %swap3A_300 = vector.load %arg4[%swap3A_298, %swap3A_299] : memref<32768x128xf32, #tpu.memory_space<vmem>>, vector<1x128xf32>
    tpu.vector_store %arg4[%swap3A_298, %swap3A_299], %get3A_295 {strides = array<i32>} : memref<32768x128xf32, #tpu.memory_space<vmem>>, vector<1x128xf32>,
    %get3A_301 = arith.constant 6 : index
    %get3A_302 = memref.load %arg1[%get3A_301] : memref<8xi32, #tpu.memory_space<smem>>
    %get3A_303 = arith.constant 30 : index
    %get3A_304 = arith.constant 0 : index
    %get3A_305 = vector.load %arg2[%get3A_303, %get3A_304] : memref<128x128xf32, #tpu.memory_space<vmem>>, vector<1x128xf32>
    %add3A_306 = arith.constant 6144 : i32
    %add3A_307 = arith.addi %add3A_306, %get3A_302 : i32
    %swap3A_308 = arith.index_cast %add3A_307 : i32 to index
    %swap3A_309 = arith.constant 0 : index
    %swap3A_310 = vector.load %arg4[%swap3A_308, %swap3A_309] : memref<32768x128xf32, #tpu.memory_space<vmem>>, vector<1x128xf32>
    tpu.vector_store %arg4[%swap3A_308, %swap3A_309], %get3A_305 {strides = array<i32>} : memref<32768x128xf32, #tpu.memory_space<vmem>>, vector<1x128xf32>,
    %get3A_311 = arith.constant 7 : index
    %get3A_312 = memref.load %arg1[%get3A_311] : memref<8xi32, #tpu.memory_space<smem>>
    %get3A_313 = arith.constant 31 : index
    %get3A_314 = arith.constant 0 : index
    %get3A_315 = vector.load %arg2[%get3A_313, %get3A_314] : memref<128x128xf32, #tpu.memory_space<vmem>>, vector<1x128xf32>
    %add3A_316 = arith.constant 6144 : i32
    %add3A_317 = arith.addi %add3A_316, %get3A_312 : i32
    %swap3A_318 = arith.index_cast %add3A_317 : i32 to index
    %swap3A_319 = arith.constant 0 : index
    %swap3A_320 = vector.load %arg4[%swap3A_318, %swap3A_319] : memref<32768x128xf32, #tpu.memory_space<vmem>>, vector<1x128xf32>
    tpu.vector_store %arg4[%swap3A_318, %swap3A_319], %get3A_315 {strides = array<i32>} : memref<32768x128xf32, #tpu.memory_space<vmem>>, vector<1x128xf32>,
    %get3A_321 = arith.constant 0 : index
    %get3A_322 = memref.load %arg1[%get3A_321] : memref<8xi32, #tpu.memory_space<smem>>
    %get3A_323 = arith.constant 32 : index
    %get3A_324 = arith.constant 0 : index
    %get3A_325 = vector.load %arg2[%get3A_323, %get3A_324] : memref<128x128xf32, #tpu.memory_space<vmem>>, vector<1x128xf32>
    %add3A_326 = arith.constant 8192 : i32
    %add3A_327 = arith.addi %add3A_326, %get3A_322 : i32
    %swap3A_328 = arith.index_cast %add3A_327 : i32 to index
    %swap3A_329 = arith.constant 0 : index
    %swap3A_330 = vector.load %arg4[%swap3A_328, %swap3A_329] : memref<32768x128xf32, #tpu.memory_space<vmem>>, vector<1x128xf32>
    tpu.vector_store %arg4[%swap3A_328, %swap3A_329], %get3A_325 {strides = array<i32>} : memref<32768x128xf32, #tpu.memory_space<vmem>>, vector<1x128xf32>,
    %get3A_331 = arith.constant 1 : index
    %get3A_332 = memref.load %arg1[%get3A_331] : memref<8xi32, #tpu.memory_space<smem>>
    %get3A_333 = arith.constant 33 : index
    %get3A_334 = arith.constant 0 : index
    %get3A_335 = vector.load %arg2[%get3A_333, %get3A_334] : memref<128x128xf32, #tpu.memory_space<vmem>>, vector<1x128xf32>
    %add3A_336 = arith.constant 8192 : i32
    %add3A_337 = arith.addi %add3A_336, %get3A_332 : i32
    %swap3A_338 = arith.index_cast %add3A_337 : i32 to index
    %swap3A_339 = arith.constant 0 : index
    %swap3A_340 = vector.load %arg4[%swap3A_338, %swap3A_339] : memref<32768x128xf32, #tpu.memory_space<vmem>>, vector<1x128xf32>
    tpu.vector_store %arg4[%swap3A_338, %swap3A_339], %get3A_335 {strides = array<i32>} : memref<32768x128xf32, #tpu.memory_space<vmem>>, vector<1x128xf32>,
    %get3A_341 = arith.constant 2 : index
    %get3A_342 = memref.load %arg1[%get3A_341] : memref<8xi32, #tpu.memory_space<smem>>
    %get3A_343 = arith.constant 34 : index
    %get3A_344 = arith.constant 0 : index
    %get3A_345 = vector.load %arg2[%get3A_343, %get3A_344] : memref<128x128xf32, #tpu.memory_space<vmem>>, vector<1x128xf32>
    %add3A_346 = arith.constant 8192 : i32
    %add3A_347 = arith.addi %add3A_346, %get3A_342 : i32
    %swap3A_348 = arith.index_cast %add3A_347 : i32 to index
    %swap3A_349 = arith.constant 0 : index
    %swap3A_350 = vector.load %arg4[%swap3A_348, %swap3A_349] : memref<32768x128xf32, #tpu.memory_space<vmem>>, vector<1x128xf32>
    tpu.vector_store %arg4[%swap3A_348, %swap3A_349], %get3A_345 {strides = array<i32>} : memref<32768x128xf32, #tpu.memory_space<vmem>>, vector<1x128xf32>,
    %get3A_351 = arith.constant 3 : index
    %get3A_352 = memref.load %arg1[%get3A_351] : memref<8xi32, #tpu.memory_space<smem>>
    %get3A_353 = arith.constant 35 : index
    %get3A_354 = arith.constant 0 : index
    %get3A_355 = vector.load %arg2[%get3A_353, %get3A_354] : memref<128x128xf32, #tpu.memory_space<vmem>>, vector<1x128xf32>
    %add3A_356 = arith.constant 8192 : i32
    %add3A_357 = arith.addi %add3A_356, %get3A_352 : i32
    %swap3A_358 = arith.index_cast %add3A_357 : i32 to index
    %swap3A_359 = arith.constant 0 : index
    %swap3A_360 = vector.load %arg4[%swap3A_358, %swap3A_359] : memref<32768x128xf32, #tpu.memory_space<vmem>>, vector<1x128xf32>
    tpu.vector_store %arg4[%swap3A_358, %swap3A_359], %get3A_355 {strides = array<i32>} : memref<32768x128xf32, #tpu.memory_space<vmem>>, vector<1x128xf32>,
    %get3A_361 = arith.constant 4 : index
    %get3A_362 = memref.load %arg1[%get3A_361] : memref<8xi32, #tpu.memory_space<smem>>
    %get3A_363 = arith.constant 36 : index
    %get3A_364 = arith.constant 0 : index
    %get3A_365 = vector.load %arg2[%get3A_363, %get3A_364] : memref<128x128xf32, #tpu.memory_space<vmem>>, vector<1x128xf32>
    %add3A_366 = arith.constant 8192 : i32
    %add3A_367 = arith.addi %add3A_366, %get3A_362 : i32
    %swap3A_368 = arith.index_cast %add3A_367 : i32 to index
    %swap3A_369 = arith.constant 0 : index
    %swap3A_370 = vector.load %arg4[%swap3A_368, %swap3A_369] : memref<32768x128xf32, #tpu.memory_space<vmem>>, vector<1x128xf32>
    tpu.vector_store %arg4[%swap3A_368, %swap3A_369], %get3A_365 {strides = array<i32>} : memref<32768x128xf32, #tpu.memory_space<vmem>>, vector<1x128xf32>,
    %get3A_371 = arith.constant 5 : index
    %get3A_372 = memref.load %arg1[%get3A_371] : memref<8xi32, #tpu.memory_space<smem>>
    %get3A_373 = arith.constant 37 : index
    %get3A_374 = arith.constant 0 : index
    %get3A_375 = vector.load %arg2[%get3A_373, %get3A_374] : memref<128x128xf32, #tpu.memory_space<vmem>>, vector<1x128xf32>
    %add3A_376 = arith.constant 8192 : i32
    %add3A_377 = arith.addi %add3A_376, %get3A_372 : i32
    %swap3A_378 = arith.index_cast %add3A_377 : i32 to index
    %swap3A_379 = arith.constant 0 : index
    %swap3A_380 = vector.load %arg4[%swap3A_378, %swap3A_379] : memref<32768x128xf32, #tpu.memory_space<vmem>>, vector<1x128xf32>
    tpu.vector_store %arg4[%swap3A_378, %swap3A_379], %get3A_375 {strides = array<i32>} : memref<32768x128xf32, #tpu.memory_space<vmem>>, vector<1x128xf32>,
    %get3A_381 = arith.constant 6 : index
    %get3A_382 = memref.load %arg1[%get3A_381] : memref<8xi32, #tpu.memory_space<smem>>
    %get3A_383 = arith.constant 38 : index
    %get3A_384 = arith.constant 0 : index
    %get3A_385 = vector.load %arg2[%get3A_383, %get3A_384] : memref<128x128xf32, #tpu.memory_space<vmem>>, vector<1x128xf32>
    %add3A_386 = arith.constant 8192 : i32
    %add3A_387 = arith.addi %add3A_386, %get3A_382 : i32
    %swap3A_388 = arith.index_cast %add3A_387 : i32 to index
    %swap3A_389 = arith.constant 0 : index
    %swap3A_390 = vector.load %arg4[%swap3A_388, %swap3A_389] : memref<32768x128xf32, #tpu.memory_space<vmem>>, vector<1x128xf32>
    tpu.vector_store %arg4[%swap3A_388, %swap3A_389], %get3A_385 {strides = array<i32>} : memref<32768x128xf32, #tpu.memory_space<vmem>>, vector<1x128xf32>,
    %get3A_391 = arith.constant 7 : index
    %get3A_392 = memref.load %arg1[%get3A_391] : memref<8xi32, #tpu.memory_space<smem>>
    %get3A_393 = arith.constant 39 : index
    %get3A_394 = arith.constant 0 : index
    %get3A_395 = vector.load %arg2[%get3A_393, %get3A_394] : memref<128x128xf32, #tpu.memory_space<vmem>>, vector<1x128xf32>
    %add3A_396 = arith.constant 8192 : i32
    %add3A_397 = arith.addi %add3A_396, %get3A_392 : i32
    %swap3A_398 = arith.index_cast %add3A_397 : i32 to index
    %swap3A_399 = arith.constant 0 : index
    %swap3A_400 = vector.load %arg4[%swap3A_398, %swap3A_399] : memref<32768x128xf32, #tpu.memory_space<vmem>>, vector<1x128xf32>
    tpu.vector_store %arg4[%swap3A_398, %swap3A_399], %get3A_395 {strides = array<i32>} : memref<32768x128xf32, #tpu.memory_space<vmem>>, vector<1x128xf32>,
    %get3A_401 = arith.constant 0 : index
    %get3A_402 = memref.load %arg1[%get3A_401] : memref<8xi32, #tpu.memory_space<smem>>
    %get3A_403 = arith.constant 40 : index
    %get3A_404 = arith.constant 0 : index
    %get3A_405 = vector.load %arg2[%get3A_403, %get3A_404] : memref<128x128xf32, #tpu.memory_space<vmem>>, vector<1x128xf32>
    %add3A_406 = arith.constant 10240 : i32
    %add3A_407 = arith.addi %add3A_406, %get3A_402 : i32
    %swap3A_408 = arith.index_cast %add3A_407 : i32 to index
    %swap3A_409 = arith.constant 0 : index
    %swap3A_410 = vector.load %arg4[%swap3A_408, %swap3A_409] : memref<32768x128xf32, #tpu.memory_space<vmem>>, vector<1x128xf32>
    tpu.vector_store %arg4[%swap3A_408, %swap3A_409], %get3A_405 {strides = array<i32>} : memref<32768x128xf32, #tpu.memory_space<vmem>>, vector<1x128xf32>,
    %get3A_411 = arith.constant 1 : index
    %get3A_412 = memref.load %arg1[%get3A_411] : memref<8xi32, #tpu.memory_space<smem>>
    %get3A_413 = arith.constant 41 : index
    %get3A_414 = arith.constant 0 : index
    %get3A_415 = vector.load %arg2[%get3A_413, %get3A_414] : memref<128x128xf32, #tpu.memory_space<vmem>>, vector<1x128xf32>
    %add3A_416 = arith.constant 10240 : i32
    %add3A_417 = arith.addi %add3A_416, %get3A_412 : i32
    %swap3A_418 = arith.index_cast %add3A_417 : i32 to index
    %swap3A_419 = arith.constant 0 : index
    %swap3A_420 = vector.load %arg4[%swap3A_418, %swap3A_419] : memref<32768x128xf32, #tpu.memory_space<vmem>>, vector<1x128xf32>
    tpu.vector_store %arg4[%swap3A_418, %swap3A_419], %get3A_415 {strides = array<i32>} : memref<32768x128xf32, #tpu.memory_space<vmem>>, vector<1x128xf32>,
    %get3A_421 = arith.constant 2 : index
    %get3A_422 = memref.load %arg1[%get3A_421] : memref<8xi32, #tpu.memory_space<smem>>
    %get3A_423 = arith.constant 42 : index
    %get3A_424 = arith.constant 0 : index
    %get3A_425 = vector.load %arg2[%get3A_423, %get3A_424] : memref<128x128xf32, #tpu.memory_space<vmem>>, vector<1x128xf32>
    %add3A_426 = arith.constant 10240 : i32
    %add3A_427 = arith.addi %add3A_426, %get3A_422 : i32
    %swap3A_428 = arith.index_cast %add3A_427 : i32 to index
    %swap3A_429 = arith.constant 0 : index
    %swap3A_430 = vector.load %arg4[%swap3A_428, %swap3A_429] : memref<32768x128xf32, #tpu.memory_space<vmem>>, vector<1x128xf32>
    tpu.vector_store %arg4[%swap3A_428, %swap3A_429], %get3A_425 {strides = array<i32>} : memref<32768x128xf32, #tpu.memory_space<vmem>>, vector<1x128xf32>,
    %get3A_431 = arith.constant 3 : index
    %get3A_432 = memref.load %arg1[%get3A_431] : memref<8xi32, #tpu.memory_space<smem>>
    %get3A_433 = arith.constant 43 : index
    %get3A_434 = arith.constant 0 : index
    %get3A_435 = vector.load %arg2[%get3A_433, %get3A_434] : memref<128x128xf32, #tpu.memory_space<vmem>>, vector<1x128xf32>
    %add3A_436 = arith.constant 10240 : i32
    %add3A_437 = arith.addi %add3A_436, %get3A_432 : i32
    %swap3A_438 = arith.index_cast %add3A_437 : i32 to index
    %swap3A_439 = arith.constant 0 : index
    %swap3A_440 = vector.load %arg4[%swap3A_438, %swap3A_439] : memref<32768x128xf32, #tpu.memory_space<vmem>>, vector<1x128xf32>
    tpu.vector_store %arg4[%swap3A_438, %swap3A_439], %get3A_435 {strides = array<i32>} : memref<32768x128xf32, #tpu.memory_space<vmem>>, vector<1x128xf32>,
    %get3A_441 = arith.constant 4 : index
    %get3A_442 = memref.load %arg1[%get3A_441] : memref<8xi32, #tpu.memory_space<smem>>
    %get3A_443 = arith.constant 44 : index
    %get3A_444 = arith.constant 0 : index
    %get3A_445 = vector.load %arg2[%get3A_443, %get3A_444] : memref<128x128xf32, #tpu.memory_space<vmem>>, vector<1x128xf32>
    %add3A_446 = arith.constant 10240 : i32
    %add3A_447 = arith.addi %add3A_446, %get3A_442 : i32
    %swap3A_448 = arith.index_cast %add3A_447 : i32 to index
    %swap3A_449 = arith.constant 0 : index
    %swap3A_450 = vector.load %arg4[%swap3A_448, %swap3A_449] : memref<32768x128xf32, #tpu.memory_space<vmem>>, vector<1x128xf32>
    tpu.vector_store %arg4[%swap3A_448, %swap3A_449], %get3A_445 {strides = array<i32>} : memref<32768x128xf32, #tpu.memory_space<vmem>>, vector<1x128xf32>,
    %get3A_451 = arith.constant 5 : index
    %get3A_452 = memref.load %arg1[%get3A_451] : memref<8xi32, #tpu.memory_space<smem>>
    %get3A_453 = arith.constant 45 : index
    %get3A_454 = arith.constant 0 : index
    %get3A_455 = vector.load %arg2[%get3A_453, %get3A_454] : memref<128x128xf32, #tpu.memory_space<vmem>>, vector<1x128xf32>
    %add3A_456 = arith.constant 10240 : i32
    %add3A_457 = arith.addi %add3A_456, %get3A_452 : i32
    %swap3A_458 = arith.index_cast %add3A_457 : i32 to index
    %swap3A_459 = arith.constant 0 : index
    %swap3A_460 = vector.load %arg4[%swap3A_458, %swap3A_459] : memref<32768x128xf32, #tpu.memory_space<vmem>>, vector<1x128xf32>
    tpu.vector_store %arg4[%swap3A_458, %swap3A_459], %get3A_455 {strides = array<i32>} : memref<32768x128xf32, #tpu.memory_space<vmem>>, vector<1x128xf32>,
    %get3A_461 = arith.constant 6 : index
    %get3A_462 = memref.load %arg1[%get3A_461] : memref<8xi32, #tpu.memory_space<smem>>
    %get3A_463 = arith.constant 46 : index
    %get3A_464 = arith.constant 0 : index
    %get3A_465 = vector.load %arg2[%get3A_463, %get3A_464] : memref<128x128xf32, #tpu.memory_space<vmem>>, vector<1x128xf32>
    %add3A_466 = arith.constant 10240 : i32
    %add3A_467 = arith.addi %add3A_466, %get3A_462 : i32
    %swap3A_468 = arith.index_cast %add3A_467 : i32 to index
    %swap3A_469 = arith.constant 0 : index
    %swap3A_470 = vector.load %arg4[%swap3A_468, %swap3A_469] : memref<32768x128xf32, #tpu.memory_space<vmem>>, vector<1x128xf32>
    tpu.vector_store %arg4[%swap3A_468, %swap3A_469], %get3A_465 {strides = array<i32>} : memref<32768x128xf32, #tpu.memory_space<vmem>>, vector<1x128xf32>,
    %get3A_471 = arith.constant 7 : index
    %get3A_472 = memref.load %arg1[%get3A_471] : memref<8xi32, #tpu.memory_space<smem>>
    %get3A_473 = arith.constant 47 : index
    %get3A_474 = arith.constant 0 : index
    %get3A_475 = vector.load %arg2[%get3A_473, %get3A_474] : memref<128x128xf32, #tpu.memory_space<vmem>>, vector<1x128xf32>
    %add3A_476 = arith.constant 10240 : i32
    %add3A_477 = arith.addi %add3A_476, %get3A_472 : i32
    %swap3A_478 = arith.index_cast %add3A_477 : i32 to index
    %swap3A_479 = arith.constant 0 : index
    %swap3A_480 = vector.load %arg4[%swap3A_478, %swap3A_479] : memref<32768x128xf32, #tpu.memory_space<vmem>>, vector<1x128xf32>
    tpu.vector_store %arg4[%swap3A_478, %swap3A_479], %get3A_475 {strides = array<i32>} : memref<32768x128xf32, #tpu.memory_space<vmem>>, vector<1x128xf32>,
    %get3A_481 = arith.constant 0 : index
    %get3A_482 = memref.load %arg1[%get3A_481] : memref<8xi32, #tpu.memory_space<smem>>
    %get3A_483 = arith.constant 48 : index
    %get3A_484 = arith.constant 0 : index
    %get3A_485 = vector.load %arg2[%get3A_483, %get3A_484] : memref<128x128xf32, #tpu.memory_space<vmem>>, vector<1x128xf32>
    %add3A_486 = arith.constant 12288 : i32
    %add3A_487 = arith.addi %add3A_486, %get3A_482 : i32
    %swap3A_488 = arith.index_cast %add3A_487 : i32 to index
    %swap3A_489 = arith.constant 0 : index
    %swap3A_490 = vector.load %arg4[%swap3A_488, %swap3A_489] : memref<32768x128xf32, #tpu.memory_space<vmem>>, vector<1x128xf32>
    tpu.vector_store %arg4[%swap3A_488, %swap3A_489], %get3A_485 {strides = array<i32>} : memref<32768x128xf32, #tpu.memory_space<vmem>>, vector<1x128xf32>,
    %get3A_491 = arith.constant 1 : index
    %get3A_492 = memref.load %arg1[%get3A_491] : memref<8xi32, #tpu.memory_space<smem>>
    %get3A_493 = arith.constant 49 : index
    %get3A_494 = arith.constant 0 : index
    %get3A_495 = vector.load %arg2[%get3A_493, %get3A_494] : memref<128x128xf32, #tpu.memory_space<vmem>>, vector<1x128xf32>
    %add3A_496 = arith.constant 12288 : i32
    %add3A_497 = arith.addi %add3A_496, %get3A_492 : i32
    %swap3A_498 = arith.index_cast %add3A_497 : i32 to index
    %swap3A_499 = arith.constant 0 : index
    %swap3A_500 = vector.load %arg4[%swap3A_498, %swap3A_499] : memref<32768x128xf32, #tpu.memory_space<vmem>>, vector<1x128xf32>
    tpu.vector_store %arg4[%swap3A_498, %swap3A_499], %get3A_495 {strides = array<i32>} : memref<32768x128xf32, #tpu.memory_space<vmem>>, vector<1x128xf32>,
    %get3A_501 = arith.constant 2 : index
    %get3A_502 = memref.load %arg1[%get3A_501] : memref<8xi32, #tpu.memory_space<smem>>
    %get3A_503 = arith.constant 50 : index
    %get3A_504 = arith.constant 0 : index
    %get3A_505 = vector.load %arg2[%get3A_503, %get3A_504] : memref<128x128xf32, #tpu.memory_space<vmem>>, vector<1x128xf32>
    %add3A_506 = arith.constant 12288 : i32
    %add3A_507 = arith.addi %add3A_506, %get3A_502 : i32
    %swap3A_508 = arith.index_cast %add3A_507 : i32 to index
    %swap3A_509 = arith.constant 0 : index
    %swap3A_510 = vector.load %arg4[%swap3A_508, %swap3A_509] : memref<32768x128xf32, #tpu.memory_space<vmem>>, vector<1x128xf32>
    tpu.vector_store %arg4[%swap3A_508, %swap3A_509], %get3A_505 {strides = array<i32>} : memref<32768x128xf32, #tpu.memory_space<vmem>>, vector<1x128xf32>,
    %get3A_511 = arith.constant 3 : index
    %get3A_512 = memref.load %arg1[%get3A_511] : memref<8xi32, #tpu.memory_space<smem>>
    %get3A_513 = arith.constant 51 : index
    %get3A_514 = arith.constant 0 : index
    %get3A_515 = vector.load %arg2[%get3A_513, %get3A_514] : memref<128x128xf32, #tpu.memory_space<vmem>>, vector<1x128xf32>
    %add3A_516 = arith.constant 12288 : i32
    %add3A_517 = arith.addi %add3A_516, %get3A_512 : i32
    %swap3A_518 = arith.index_cast %add3A_517 : i32 to index
    %swap3A_519 = arith.constant 0 : index
    %swap3A_520 = vector.load %arg4[%swap3A_518, %swap3A_519] : memref<32768x128xf32, #tpu.memory_space<vmem>>, vector<1x128xf32>
    tpu.vector_store %arg4[%swap3A_518, %swap3A_519], %get3A_515 {strides = array<i32>} : memref<32768x128xf32, #tpu.memory_space<vmem>>, vector<1x128xf32>,
    %get3A_521 = arith.constant 4 : index
    %get3A_522 = memref.load %arg1[%get3A_521] : memref<8xi32, #tpu.memory_space<smem>>
    %get3A_523 = arith.constant 52 : index
    %get3A_524 = arith.constant 0 : index
    %get3A_525 = vector.load %arg2[%get3A_523, %get3A_524] : memref<128x128xf32, #tpu.memory_space<vmem>>, vector<1x128xf32>
    %add3A_526 = arith.constant 12288 : i32
    %add3A_527 = arith.addi %add3A_526, %get3A_522 : i32
    %swap3A_528 = arith.index_cast %add3A_527 : i32 to index
    %swap3A_529 = arith.constant 0 : index
    %swap3A_530 = vector.load %arg4[%swap3A_528, %swap3A_529] : memref<32768x128xf32, #tpu.memory_space<vmem>>, vector<1x128xf32>
    tpu.vector_store %arg4[%swap3A_528, %swap3A_529], %get3A_525 {strides = array<i32>} : memref<32768x128xf32, #tpu.memory_space<vmem>>, vector<1x128xf32>,
    %get3A_531 = arith.constant 5 : index
    %get3A_532 = memref.load %arg1[%get3A_531] : memref<8xi32, #tpu.memory_space<smem>>
    %get3A_533 = arith.constant 53 : index
    %get3A_534 = arith.constant 0 : index
    %get3A_535 = vector.load %arg2[%get3A_533, %get3A_534] : memref<128x128xf32, #tpu.memory_space<vmem>>, vector<1x128xf32>
    %add3A_536 = arith.constant 12288 : i32
    %add3A_537 = arith.addi %add3A_536, %get3A_532 : i32
    %swap3A_538 = arith.index_cast %add3A_537 : i32 to index
    %swap3A_539 = arith.constant 0 : index
    %swap3A_540 = vector.load %arg4[%swap3A_538, %swap3A_539] : memref<32768x128xf32, #tpu.memory_space<vmem>>, vector<1x128xf32>
    tpu.vector_store %arg4[%swap3A_538, %swap3A_539], %get3A_535 {strides = array<i32>} : memref<32768x128xf32, #tpu.memory_space<vmem>>, vector<1x128xf32>,
    %get3A_541 = arith.constant 6 : index
    %get3A_542 = memref.load %arg1[%get3A_541] : memref<8xi32, #tpu.memory_space<smem>>
    %get3A_543 = arith.constant 54 : index
    %get3A_544 = arith.constant 0 : index
    %get3A_545 = vector.load %arg2[%get3A_543, %get3A_544] : memref<128x128xf32, #tpu.memory_space<vmem>>, vector<1x128xf32>
    %add3A_546 = arith.constant 12288 : i32
    %add3A_547 = arith.addi %add3A_546, %get3A_542 : i32
    %swap3A_548 = arith.index_cast %add3A_547 : i32 to index
    %swap3A_549 = arith.constant 0 : index
    %swap3A_550 = vector.load %arg4[%swap3A_548, %swap3A_549] : memref<32768x128xf32, #tpu.memory_space<vmem>>, vector<1x128xf32>
    tpu.vector_store %arg4[%swap3A_548, %swap3A_549], %get3A_545 {strides = array<i32>} : memref<32768x128xf32, #tpu.memory_space<vmem>>, vector<1x128xf32>,
    %get3A_551 = arith.constant 7 : index
    %get3A_552 = memref.load %arg1[%get3A_551] : memref<8xi32, #tpu.memory_space<smem>>
    %get3A_553 = arith.constant 55 : index
    %get3A_554 = arith.constant 0 : index
    %get3A_555 = vector.load %arg2[%get3A_553, %get3A_554] : memref<128x128xf32, #tpu.memory_space<vmem>>, vector<1x128xf32>
    %add3A_556 = arith.constant 12288 : i32
    %add3A_557 = arith.addi %add3A_556, %get3A_552 : i32
    %swap3A_558 = arith.index_cast %add3A_557 : i32 to index
    %swap3A_559 = arith.constant 0 : index
    %swap3A_560 = vector.load %arg4[%swap3A_558, %swap3A_559] : memref<32768x128xf32, #tpu.memory_space<vmem>>, vector<1x128xf32>
    tpu.vector_store %arg4[%swap3A_558, %swap3A_559], %get3A_555 {strides = array<i32>} : memref<32768x128xf32, #tpu.memory_space<vmem>>, vector<1x128xf32>,
    %get3A_561 = arith.constant 0 : index
    %get3A_562 = memref.load %arg1[%get3A_561] : memref<8xi32, #tpu.memory_space<smem>>
    %get3A_563 = arith.constant 56 : index
    %get3A_564 = arith.constant 0 : index
    %get3A_565 = vector.load %arg2[%get3A_563, %get3A_564] : memref<128x128xf32, #tpu.memory_space<vmem>>, vector<1x128xf32>
    %add3A_566 = arith.constant 14336 : i32
    %add3A_567 = arith.addi %add3A_566, %get3A_562 : i32
    %swap3A_568 = arith.index_cast %add3A_567 : i32 to index
    %swap3A_569 = arith.constant 0 : index
    %swap3A_570 = vector.load %arg4[%swap3A_568, %swap3A_569] : memref<32768x128xf32, #tpu.memory_space<vmem>>, vector<1x128xf32>
    tpu.vector_store %arg4[%swap3A_568, %swap3A_569], %get3A_565 {strides = array<i32>} : memref<32768x128xf32, #tpu.memory_space<vmem>>, vector<1x128xf32>,
    %get3A_571 = arith.constant 1 : index
    %get3A_572 = memref.load %arg1[%get3A_571] : memref<8xi32, #tpu.memory_space<smem>>
    %get3A_573 = arith.constant 57 : index
    %get3A_574 = arith.constant 0 : index
    %get3A_575 = vector.load %arg2[%get3A_573, %get3A_574] : memref<128x128xf32, #tpu.memory_space<vmem>>, vector<1x128xf32>
    %add3A_576 = arith.constant 14336 : i32
    %add3A_577 = arith.addi %add3A_576, %get3A_572 : i32
    %swap3A_578 = arith.index_cast %add3A_577 : i32 to index
    %swap3A_579 = arith.constant 0 : index
    %swap3A_580 = vector.load %arg4[%swap3A_578, %swap3A_579] : memref<32768x128xf32, #tpu.memory_space<vmem>>, vector<1x128xf32>
    tpu.vector_store %arg4[%swap3A_578, %swap3A_579], %get3A_575 {strides = array<i32>} : memref<32768x128xf32, #tpu.memory_space<vmem>>, vector<1x128xf32>,
    %get3A_581 = arith.constant 2 : index
    %get3A_582 = memref.load %arg1[%get3A_581] : memref<8xi32, #tpu.memory_space<smem>>
    %get3A_583 = arith.constant 58 : index
    %get3A_584 = arith.constant 0 : index
    %get3A_585 = vector.load %arg2[%get3A_583, %get3A_584] : memref<128x128xf32, #tpu.memory_space<vmem>>, vector<1x128xf32>
    %add3A_586 = arith.constant 14336 : i32
    %add3A_587 = arith.addi %add3A_586, %get3A_582 : i32
    %swap3A_588 = arith.index_cast %add3A_587 : i32 to index
    %swap3A_589 = arith.constant 0 : index
    %swap3A_590 = vector.load %arg4[%swap3A_588, %swap3A_589] : memref<32768x128xf32, #tpu.memory_space<vmem>>, vector<1x128xf32>
    tpu.vector_store %arg4[%swap3A_588, %swap3A_589], %get3A_585 {strides = array<i32>} : memref<32768x128xf32, #tpu.memory_space<vmem>>, vector<1x128xf32>,
    %get3A_591 = arith.constant 3 : index
    %get3A_592 = memref.load %arg1[%get3A_591] : memref<8xi32, #tpu.memory_space<smem>>
    %get3A_593 = arith.constant 59 : index
    %get3A_594 = arith.constant 0 : index
    %get3A_595 = vector.load %arg2[%get3A_593, %get3A_594] : memref<128x128xf32, #tpu.memory_space<vmem>>, vector<1x128xf32>
    %add3A_596 = arith.constant 14336 : i32
    %add3A_597 = arith.addi %add3A_596, %get3A_592 : i32
    %swap3A_598 = arith.index_cast %add3A_597 : i32 to index
    %swap3A_599 = arith.constant 0 : index
    %swap3A_600 = vector.load %arg4[%swap3A_598, %swap3A_599] : memref<32768x128xf32, #tpu.memory_space<vmem>>, vector<1x128xf32>
    tpu.vector_store %arg4[%swap3A_598, %swap3A_599], %get3A_595 {strides = array<i32>} : memref<32768x128xf32, #tpu.memory_space<vmem>>, vector<1x128xf32>,
    %get3A_601 = arith.constant 4 : index
    %get3A_602 = memref.load %arg1[%get3A_601] : memref<8xi32, #tpu.memory_space<smem>>
    %get3A_603 = arith.constant 60 : index
    %get3A_604 = arith.constant 0 : index
    %get3A_605 = vector.load %arg2[%get3A_603, %get3A_604] : memref<128x128xf32, #tpu.memory_space<vmem>>, vector<1x128xf32>
    %add3A_606 = arith.constant 14336 : i32
    %add3A_607 = arith.addi %add3A_606, %get3A_602 : i32
    %swap3A_608 = arith.index_cast %add3A_607 : i32 to index
    %swap3A_609 = arith.constant 0 : index
    %swap3A_610 = vector.load %arg4[%swap3A_608, %swap3A_609] : memref<32768x128xf32, #tpu.memory_space<vmem>>, vector<1x128xf32>
    tpu.vector_store %arg4[%swap3A_608, %swap3A_609], %get3A_605 {strides = array<i32>} : memref<32768x128xf32, #tpu.memory_space<vmem>>, vector<1x128xf32>,
    %get3A_611 = arith.constant 5 : index
    %get3A_612 = memref.load %arg1[%get3A_611] : memref<8xi32, #tpu.memory_space<smem>>
    %get3A_613 = arith.constant 61 : index
    %get3A_614 = arith.constant 0 : index
    %get3A_615 = vector.load %arg2[%get3A_613, %get3A_614] : memref<128x128xf32, #tpu.memory_space<vmem>>, vector<1x128xf32>
    %add3A_616 = arith.constant 14336 : i32
    %add3A_617 = arith.addi %add3A_616, %get3A_612 : i32
    %swap3A_618 = arith.index_cast %add3A_617 : i32 to index
    %swap3A_619 = arith.constant 0 : index
    %swap3A_620 = vector.load %arg4[%swap3A_618, %swap3A_619] : memref<32768x128xf32, #tpu.memory_space<vmem>>, vector<1x128xf32>
    tpu.vector_store %arg4[%swap3A_618, %swap3A_619], %get3A_615 {strides = array<i32>} : memref<32768x128xf32, #tpu.memory_space<vmem>>, vector<1x128xf32>,
    %get3A_621 = arith.constant 6 : index
    %get3A_622 = memref.load %arg1[%get3A_621] : memref<8xi32, #tpu.memory_space<smem>>
    %get3A_623 = arith.constant 62 : index
    %get3A_624 = arith.constant 0 : index
    %get3A_625 = vector.load %arg2[%get3A_623, %get3A_624] : memref<128x128xf32, #tpu.memory_space<vmem>>, vector<1x128xf32>
    %add3A_626 = arith.constant 14336 : i32
    %add3A_627 = arith.addi %add3A_626, %get3A_622 : i32
    %swap3A_628 = arith.index_cast %add3A_627 : i32 to index
    %swap3A_629 = arith.constant 0 : index
    %swap3A_630 = vector.load %arg4[%swap3A_628, %swap3A_629] : memref<32768x128xf32, #tpu.memory_space<vmem>>, vector<1x128xf32>
    tpu.vector_store %arg4[%swap3A_628, %swap3A_629], %get3A_625 {strides = array<i32>} : memref<32768x128xf32, #tpu.memory_space<vmem>>, vector<1x128xf32>,
    %get3A_631 = arith.constant 7 : index
    %get3A_632 = memref.load %arg1[%get3A_631] : memref<8xi32, #tpu.memory_space<smem>>
    %get3A_633 = arith.constant 63 : index
    %get3A_634 = arith.constant 0 : index
    %get3A_635 = vector.load %arg2[%get3A_633, %get3A_634] : memref<128x128xf32, #tpu.memory_space<vmem>>, vector<1x128xf32>
    %add3A_636 = arith.constant 14336 : i32
    %add3A_637 = arith.addi %add3A_636, %get3A_632 : i32
    %swap3A_638 = arith.index_cast %add3A_637 : i32 to index
    %swap3A_639 = arith.constant 0 : index
    %swap3A_640 = vector.load %arg4[%swap3A_638, %swap3A_639] : memref<32768x128xf32, #tpu.memory_space<vmem>>, vector<1x128xf32>
    tpu.vector_store %arg4[%swap3A_638, %swap3A_639], %get3A_635 {strides = array<i32>} : memref<32768x128xf32, #tpu.memory_space<vmem>>, vector<1x128xf32>,
    %get3A_641 = arith.constant 0 : index
    %get3A_642 = memref.load %arg1[%get3A_641] : memref<8xi32, #tpu.memory_space<smem>>
    %get3A_643 = arith.constant 64 : index
    %get3A_644 = arith.constant 0 : index
    %get3A_645 = vector.load %arg2[%get3A_643, %get3A_644] : memref<128x128xf32, #tpu.memory_space<vmem>>, vector<1x128xf32>
    %add3A_646 = arith.constant 16384 : i32
    %add3A_647 = arith.addi %add3A_646, %get3A_642 : i32
    %swap3A_648 = arith.index_cast %add3A_647 : i32 to index
    %swap3A_649 = arith.constant 0 : index
    %swap3A_650 = vector.load %arg4[%swap3A_648, %swap3A_649] : memref<32768x128xf32, #tpu.memory_space<vmem>>, vector<1x128xf32>
    tpu.vector_store %arg4[%swap3A_648, %swap3A_649], %get3A_645 {strides = array<i32>} : memref<32768x128xf32, #tpu.memory_space<vmem>>, vector<1x128xf32>,
    %get3A_651 = arith.constant 1 : index
    %get3A_652 = memref.load %arg1[%get3A_651] : memref<8xi32, #tpu.memory_space<smem>>
    %get3A_653 = arith.constant 65 : index
    %get3A_654 = arith.constant 0 : index
    %get3A_655 = vector.load %arg2[%get3A_653, %get3A_654] : memref<128x128xf32, #tpu.memory_space<vmem>>, vector<1x128xf32>
    %add3A_656 = arith.constant 16384 : i32
    %add3A_657 = arith.addi %add3A_656, %get3A_652 : i32
    %swap3A_658 = arith.index_cast %add3A_657 : i32 to index
    %swap3A_659 = arith.constant 0 : index
    %swap3A_660 = vector.load %arg4[%swap3A_658, %swap3A_659] : memref<32768x128xf32, #tpu.memory_space<vmem>>, vector<1x128xf32>
    tpu.vector_store %arg4[%swap3A_658, %swap3A_659], %get3A_655 {strides = array<i32>} : memref<32768x128xf32, #tpu.memory_space<vmem>>, vector<1x128xf32>,
    %get3A_661 = arith.constant 2 : index
    %get3A_662 = memref.load %arg1[%get3A_661] : memref<8xi32, #tpu.memory_space<smem>>
    %get3A_663 = arith.constant 66 : index
    %get3A_664 = arith.constant 0 : index
    %get3A_665 = vector.load %arg2[%get3A_663, %get3A_664] : memref<128x128xf32, #tpu.memory_space<vmem>>, vector<1x128xf32>
    %add3A_666 = arith.constant 16384 : i32
    %add3A_667 = arith.addi %add3A_666, %get3A_662 : i32
    %swap3A_668 = arith.index_cast %add3A_667 : i32 to index
    %swap3A_669 = arith.constant 0 : index
    %swap3A_670 = vector.load %arg4[%swap3A_668, %swap3A_669] : memref<32768x128xf32, #tpu.memory_space<vmem>>, vector<1x128xf32>
    tpu.vector_store %arg4[%swap3A_668, %swap3A_669], %get3A_665 {strides = array<i32>} : memref<32768x128xf32, #tpu.memory_space<vmem>>, vector<1x128xf32>,
    %get3A_671 = arith.constant 3 : index
    %get3A_672 = memref.load %arg1[%get3A_671] : memref<8xi32, #tpu.memory_space<smem>>
    %get3A_673 = arith.constant 67 : index
    %get3A_674 = arith.constant 0 : index
    %get3A_675 = vector.load %arg2[%get3A_673, %get3A_674] : memref<128x128xf32, #tpu.memory_space<vmem>>, vector<1x128xf32>
    %add3A_676 = arith.constant 16384 : i32
    %add3A_677 = arith.addi %add3A_676, %get3A_672 : i32
    %swap3A_678 = arith.index_cast %add3A_677 : i32 to index
    %swap3A_679 = arith.constant 0 : index
    %swap3A_680 = vector.load %arg4[%swap3A_678, %swap3A_679] : memref<32768x128xf32, #tpu.memory_space<vmem>>, vector<1x128xf32>
    tpu.vector_store %arg4[%swap3A_678, %swap3A_679], %get3A_675 {strides = array<i32>} : memref<32768x128xf32, #tpu.memory_space<vmem>>, vector<1x128xf32>,
    %get3A_681 = arith.constant 4 : index
    %get3A_682 = memref.load %arg1[%get3A_681] : memref<8xi32, #tpu.memory_space<smem>>
    %get3A_683 = arith.constant 68 : index
    %get3A_684 = arith.constant 0 : index
    %get3A_685 = vector.load %arg2[%get3A_683, %get3A_684] : memref<128x128xf32, #tpu.memory_space<vmem>>, vector<1x128xf32>
    %add3A_686 = arith.constant 16384 : i32
    %add3A_687 = arith.addi %add3A_686, %get3A_682 : i32
    %swap3A_688 = arith.index_cast %add3A_687 : i32 to index
    %swap3A_689 = arith.constant 0 : index
    %swap3A_690 = vector.load %arg4[%swap3A_688, %swap3A_689] : memref<32768x128xf32, #tpu.memory_space<vmem>>, vector<1x128xf32>
    tpu.vector_store %arg4[%swap3A_688, %swap3A_689], %get3A_685 {strides = array<i32>} : memref<32768x128xf32, #tpu.memory_space<vmem>>, vector<1x128xf32>,
    %get3A_691 = arith.constant 5 : index
    %get3A_692 = memref.load %arg1[%get3A_691] : memref<8xi32, #tpu.memory_space<smem>>
    %get3A_693 = arith.constant 69 : index
    %get3A_694 = arith.constant 0 : index
    %get3A_695 = vector.load %arg2[%get3A_693, %get3A_694] : memref<128x128xf32, #tpu.memory_space<vmem>>, vector<1x128xf32>
    %add3A_696 = arith.constant 16384 : i32
    %add3A_697 = arith.addi %add3A_696, %get3A_692 : i32
    %swap3A_698 = arith.index_cast %add3A_697 : i32 to index
    %swap3A_699 = arith.constant 0 : index
    %swap3A_700 = vector.load %arg4[%swap3A_698, %swap3A_699] : memref<32768x128xf32, #tpu.memory_space<vmem>>, vector<1x128xf32>
    tpu.vector_store %arg4[%swap3A_698, %swap3A_699], %get3A_695 {strides = array<i32>} : memref<32768x128xf32, #tpu.memory_space<vmem>>, vector<1x128xf32>,
    %get3A_701 = arith.constant 6 : index
    %get3A_702 = memref.load %arg1[%get3A_701] : memref<8xi32, #tpu.memory_space<smem>>
    %get3A_703 = arith.constant 70 : index
    %get3A_704 = arith.constant 0 : index
    %get3A_705 = vector.load %arg2[%get3A_703, %get3A_704] : memref<128x128xf32, #tpu.memory_space<vmem>>, vector<1x128xf32>
    %add3A_706 = arith.constant 16384 : i32
    %add3A_707 = arith.addi %add3A_706, %get3A_702 : i32
    %swap3A_708 = arith.index_cast %add3A_707 : i32 to index
    %swap3A_709 = arith.constant 0 : index
    %swap3A_710 = vector.load %arg4[%swap3A_708, %swap3A_709] : memref<32768x128xf32, #tpu.memory_space<vmem>>, vector<1x128xf32>
    tpu.vector_store %arg4[%swap3A_708, %swap3A_709], %get3A_705 {strides = array<i32>} : memref<32768x128xf32, #tpu.memory_space<vmem>>, vector<1x128xf32>,
    %get3A_711 = arith.constant 7 : index
    %get3A_712 = memref.load %arg1[%get3A_711] : memref<8xi32, #tpu.memory_space<smem>>
    %get3A_713 = arith.constant 71 : index
    %get3A_714 = arith.constant 0 : index
    %get3A_715 = vector.load %arg2[%get3A_713, %get3A_714] : memref<128x128xf32, #tpu.memory_space<vmem>>, vector<1x128xf32>
    %add3A_716 = arith.constant 16384 : i32
    %add3A_717 = arith.addi %add3A_716, %get3A_712 : i32
    %swap3A_718 = arith.index_cast %add3A_717 : i32 to index
    %swap3A_719 = arith.constant 0 : index
    %swap3A_720 = vector.load %arg4[%swap3A_718, %swap3A_719] : memref<32768x128xf32, #tpu.memory_space<vmem>>, vector<1x128xf32>
    tpu.vector_store %arg4[%swap3A_718, %swap3A_719], %get3A_715 {strides = array<i32>} : memref<32768x128xf32, #tpu.memory_space<vmem>>, vector<1x128xf32>,
    %get3A_721 = arith.constant 0 : index
    %get3A_722 = memref.load %arg1[%get3A_721] : memref<8xi32, #tpu.memory_space<smem>>
    %get3A_723 = arith.constant 72 : index
    %get3A_724 = arith.constant 0 : index
    %get3A_725 = vector.load %arg2[%get3A_723, %get3A_724] : memref<128x128xf32, #tpu.memory_space<vmem>>, vector<1x128xf32>
    %add3A_726 = arith.constant 18432 : i32
    %add3A_727 = arith.addi %add3A_726, %get3A_722 : i32
    %swap3A_728 = arith.index_cast %add3A_727 : i32 to index
    %swap3A_729 = arith.constant 0 : index
    %swap3A_730 = vector.load %arg4[%swap3A_728, %swap3A_729] : memref<32768x128xf32, #tpu.memory_space<vmem>>, vector<1x128xf32>
    tpu.vector_store %arg4[%swap3A_728, %swap3A_729], %get3A_725 {strides = array<i32>} : memref<32768x128xf32, #tpu.memory_space<vmem>>, vector<1x128xf32>,
    %get3A_731 = arith.constant 1 : index
    %get3A_732 = memref.load %arg1[%get3A_731] : memref<8xi32, #tpu.memory_space<smem>>
    %get3A_733 = arith.constant 73 : index
    %get3A_734 = arith.constant 0 : index
    %get3A_735 = vector.load %arg2[%get3A_733, %get3A_734] : memref<128x128xf32, #tpu.memory_space<vmem>>, vector<1x128xf32>
    %add3A_736 = arith.constant 18432 : i32
    %add3A_737 = arith.addi %add3A_736, %get3A_732 : i32
    %swap3A_738 = arith.index_cast %add3A_737 : i32 to index
    %swap3A_739 = arith.constant 0 : index
    %swap3A_740 = vector.load %arg4[%swap3A_738, %swap3A_739] : memref<32768x128xf32, #tpu.memory_space<vmem>>, vector<1x128xf32>
    tpu.vector_store %arg4[%swap3A_738, %swap3A_739], %get3A_735 {strides = array<i32>} : memref<32768x128xf32, #tpu.memory_space<vmem>>, vector<1x128xf32>,
    %get3A_741 = arith.constant 2 : index
    %get3A_742 = memref.load %arg1[%get3A_741] : memref<8xi32, #tpu.memory_space<smem>>
    %get3A_743 = arith.constant 74 : index
    %get3A_744 = arith.constant 0 : index
    %get3A_745 = vector.load %arg2[%get3A_743, %get3A_744] : memref<128x128xf32, #tpu.memory_space<vmem>>, vector<1x128xf32>
    %add3A_746 = arith.constant 18432 : i32
    %add3A_747 = arith.addi %add3A_746, %get3A_742 : i32
    %swap3A_748 = arith.index_cast %add3A_747 : i32 to index
    %swap3A_749 = arith.constant 0 : index
    %swap3A_750 = vector.load %arg4[%swap3A_748, %swap3A_749] : memref<32768x128xf32, #tpu.memory_space<vmem>>, vector<1x128xf32>
    tpu.vector_store %arg4[%swap3A_748, %swap3A_749], %get3A_745 {strides = array<i32>} : memref<32768x128xf32, #tpu.memory_space<vmem>>, vector<1x128xf32>,
    %get3A_751 = arith.constant 3 : index
    %get3A_752 = memref.load %arg1[%get3A_751] : memref<8xi32, #tpu.memory_space<smem>>
    %get3A_753 = arith.constant 75 : index
    %get3A_754 = arith.constant 0 : index
    %get3A_755 = vector.load %arg2[%get3A_753, %get3A_754] : memref<128x128xf32, #tpu.memory_space<vmem>>, vector<1x128xf32>
    %add3A_756 = arith.constant 18432 : i32
    %add3A_757 = arith.addi %add3A_756, %get3A_752 : i32
    %swap3A_758 = arith.index_cast %add3A_757 : i32 to index
    %swap3A_759 = arith.constant 0 : index
    %swap3A_760 = vector.load %arg4[%swap3A_758, %swap3A_759] : memref<32768x128xf32, #tpu.memory_space<vmem>>, vector<1x128xf32>
    tpu.vector_store %arg4[%swap3A_758, %swap3A_759], %get3A_755 {strides = array<i32>} : memref<32768x128xf32, #tpu.memory_space<vmem>>, vector<1x128xf32>,
    %get3A_761 = arith.constant 4 : index
    %get3A_762 = memref.load %arg1[%get3A_761] : memref<8xi32, #tpu.memory_space<smem>>
    %get3A_763 = arith.constant 76 : index
    %get3A_764 = arith.constant 0 : index
    %get3A_765 = vector.load %arg2[%get3A_763, %get3A_764] : memref<128x128xf32, #tpu.memory_space<vmem>>, vector<1x128xf32>
    %add3A_766 = arith.constant 18432 : i32
    %add3A_767 = arith.addi %add3A_766, %get3A_762 : i32
    %swap3A_768 = arith.index_cast %add3A_767 : i32 to index
    %swap3A_769 = arith.constant 0 : index
    %swap3A_770 = vector.load %arg4[%swap3A_768, %swap3A_769] : memref<32768x128xf32, #tpu.memory_space<vmem>>, vector<1x128xf32>
    tpu.vector_store %arg4[%swap3A_768, %swap3A_769], %get3A_765 {strides = array<i32>} : memref<32768x128xf32, #tpu.memory_space<vmem>>, vector<1x128xf32>,
    %get3A_771 = arith.constant 5 : index
    %get3A_772 = memref.load %arg1[%get3A_771] : memref<8xi32, #tpu.memory_space<smem>>
    %get3A_773 = arith.constant 77 : index
    %get3A_774 = arith.constant 0 : index
    %get3A_775 = vector.load %arg2[%get3A_773, %get3A_774] : memref<128x128xf32, #tpu.memory_space<vmem>>, vector<1x128xf32>
    %add3A_776 = arith.constant 18432 : i32
    %add3A_777 = arith.addi %add3A_776, %get3A_772 : i32
    %swap3A_778 = arith.index_cast %add3A_777 : i32 to index
    %swap3A_779 = arith.constant 0 : index
    %swap3A_780 = vector.load %arg4[%swap3A_778, %swap3A_779] : memref<32768x128xf32, #tpu.memory_space<vmem>>, vector<1x128xf32>
    tpu.vector_store %arg4[%swap3A_778, %swap3A_779], %get3A_775 {strides = array<i32>} : memref<32768x128xf32, #tpu.memory_space<vmem>>, vector<1x128xf32>,
    %get3A_781 = arith.constant 6 : index
    %get3A_782 = memref.load %arg1[%get3A_781] : memref<8xi32, #tpu.memory_space<smem>>
    %get3A_783 = arith.constant 78 : index
    %get3A_784 = arith.constant 0 : index
    %get3A_785 = vector.load %arg2[%get3A_783, %get3A_784] : memref<128x128xf32, #tpu.memory_space<vmem>>, vector<1x128xf32>
    %add3A_786 = arith.constant 18432 : i32
    %add3A_787 = arith.addi %add3A_786, %get3A_782 : i32
    %swap3A_788 = arith.index_cast %add3A_787 : i32 to index
    %swap3A_789 = arith.constant 0 : index
    %swap3A_790 = vector.load %arg4[%swap3A_788, %swap3A_789] : memref<32768x128xf32, #tpu.memory_space<vmem>>, vector<1x128xf32>
    tpu.vector_store %arg4[%swap3A_788, %swap3A_789], %get3A_785 {strides = array<i32>} : memref<32768x128xf32, #tpu.memory_space<vmem>>, vector<1x128xf32>,
    %get3A_791 = arith.constant 7 : index
    %get3A_792 = memref.load %arg1[%get3A_791] : memref<8xi32, #tpu.memory_space<smem>>
    %get3A_793 = arith.constant 79 : index
    %get3A_794 = arith.constant 0 : index
    %get3A_795 = vector.load %arg2[%get3A_793, %get3A_794] : memref<128x128xf32, #tpu.memory_space<vmem>>, vector<1x128xf32>
    %add3A_796 = arith.constant 18432 : i32
    %add3A_797 = arith.addi %add3A_796, %get3A_792 : i32
    %swap3A_798 = arith.index_cast %add3A_797 : i32 to index
    %swap3A_799 = arith.constant 0 : index
    %swap3A_800 = vector.load %arg4[%swap3A_798, %swap3A_799] : memref<32768x128xf32, #tpu.memory_space<vmem>>, vector<1x128xf32>
    tpu.vector_store %arg4[%swap3A_798, %swap3A_799], %get3A_795 {strides = array<i32>} : memref<32768x128xf32, #tpu.memory_space<vmem>>, vector<1x128xf32>,
    %get3A_801 = arith.constant 0 : index
    %get3A_802 = memref.load %arg1[%get3A_801] : memref<8xi32, #tpu.memory_space<smem>>
    %get3A_803 = arith.constant 80 : index
    %get3A_804 = arith.constant 0 : index
    %get3A_805 = vector.load %arg2[%get3A_803, %get3A_804] : memref<128x128xf32, #tpu.memory_space<vmem>>, vector<1x128xf32>
    %add3A_806 = arith.constant 20480 : i32
    %add3A_807 = arith.addi %add3A_806, %get3A_802 : i32
    %swap3A_808 = arith.index_cast %add3A_807 : i32 to index
    %swap3A_809 = arith.constant 0 : index
    %swap3A_810 = vector.load %arg4[%swap3A_808, %swap3A_809] : memref<32768x128xf32, #tpu.memory_space<vmem>>, vector<1x128xf32>
    tpu.vector_store %arg4[%swap3A_808, %swap3A_809], %get3A_805 {strides = array<i32>} : memref<32768x128xf32, #tpu.memory_space<vmem>>, vector<1x128xf32>,
    %get3A_811 = arith.constant 1 : index
    %get3A_812 = memref.load %arg1[%get3A_811] : memref<8xi32, #tpu.memory_space<smem>>
    %get3A_813 = arith.constant 81 : index
    %get3A_814 = arith.constant 0 : index
    %get3A_815 = vector.load %arg2[%get3A_813, %get3A_814] : memref<128x128xf32, #tpu.memory_space<vmem>>, vector<1x128xf32>
    %add3A_816 = arith.constant 20480 : i32
    %add3A_817 = arith.addi %add3A_816, %get3A_812 : i32
    %swap3A_818 = arith.index_cast %add3A_817 : i32 to index
    %swap3A_819 = arith.constant 0 : index
    %swap3A_820 = vector.load %arg4[%swap3A_818, %swap3A_819] : memref<32768x128xf32, #tpu.memory_space<vmem>>, vector<1x128xf32>
    tpu.vector_store %arg4[%swap3A_818, %swap3A_819], %get3A_815 {strides = array<i32>} : memref<32768x128xf32, #tpu.memory_space<vmem>>, vector<1x128xf32>,
    %get3A_821 = arith.constant 2 : index
    %get3A_822 = memref.load %arg1[%get3A_821] : memref<8xi32, #tpu.memory_space<smem>>
    %get3A_823 = arith.constant 82 : index
    %get3A_824 = arith.constant 0 : index
    %get3A_825 = vector.load %arg2[%get3A_823, %get3A_824] : memref<128x128xf32, #tpu.memory_space<vmem>>, vector<1x128xf32>
    %add3A_826 = arith.constant 20480 : i32
    %add3A_827 = arith.addi %add3A_826, %get3A_822 : i32
    %swap3A_828 = arith.index_cast %add3A_827 : i32 to index
    %swap3A_829 = arith.constant 0 : index
    %swap3A_830 = vector.load %arg4[%swap3A_828, %swap3A_829] : memref<32768x128xf32, #tpu.memory_space<vmem>>, vector<1x128xf32>
    tpu.vector_store %arg4[%swap3A_828, %swap3A_829], %get3A_825 {strides = array<i32>} : memref<32768x128xf32, #tpu.memory_space<vmem>>, vector<1x128xf32>,
    %get3A_831 = arith.constant 3 : index
    %get3A_832 = memref.load %arg1[%get3A_831] : memref<8xi32, #tpu.memory_space<smem>>
    %get3A_833 = arith.constant 83 : index
    %get3A_834 = arith.constant 0 : index
    %get3A_835 = vector.load %arg2[%get3A_833, %get3A_834] : memref<128x128xf32, #tpu.memory_space<vmem>>, vector<1x128xf32>
    %add3A_836 = arith.constant 20480 : i32
    %add3A_837 = arith.addi %add3A_836, %get3A_832 : i32
    %swap3A_838 = arith.index_cast %add3A_837 : i32 to index
    %swap3A_839 = arith.constant 0 : index
    %swap3A_840 = vector.load %arg4[%swap3A_838, %swap3A_839] : memref<32768x128xf32, #tpu.memory_space<vmem>>, vector<1x128xf32>
    tpu.vector_store %arg4[%swap3A_838, %swap3A_839], %get3A_835 {strides = array<i32>} : memref<32768x128xf32, #tpu.memory_space<vmem>>, vector<1x128xf32>,
    %get3A_841 = arith.constant 4 : index
    %get3A_842 = memref.load %arg1[%get3A_841] : memref<8xi32, #tpu.memory_space<smem>>
    %get3A_843 = arith.constant 84 : index
    %get3A_844 = arith.constant 0 : index
    %get3A_845 = vector.load %arg2[%get3A_843, %get3A_844] : memref<128x128xf32, #tpu.memory_space<vmem>>, vector<1x128xf32>
    %add3A_846 = arith.constant 20480 : i32
    %add3A_847 = arith.addi %add3A_846, %get3A_842 : i32
    %swap3A_848 = arith.index_cast %add3A_847 : i32 to index
    %swap3A_849 = arith.constant 0 : index
    %swap3A_850 = vector.load %arg4[%swap3A_848, %swap3A_849] : memref<32768x128xf32, #tpu.memory_space<vmem>>, vector<1x128xf32>
    tpu.vector_store %arg4[%swap3A_848, %swap3A_849], %get3A_845 {strides = array<i32>} : memref<32768x128xf32, #tpu.memory_space<vmem>>, vector<1x128xf32>,
    %get3A_851 = arith.constant 5 : index
    %get3A_852 = memref.load %arg1[%get3A_851] : memref<8xi32, #tpu.memory_space<smem>>
    %get3A_853 = arith.constant 85 : index
    %get3A_854 = arith.constant 0 : index
    %get3A_855 = vector.load %arg2[%get3A_853, %get3A_854] : memref<128x128xf32, #tpu.memory_space<vmem>>, vector<1x128xf32>
    %add3A_856 = arith.constant 20480 : i32
    %add3A_857 = arith.addi %add3A_856, %get3A_852 : i32
    %swap3A_858 = arith.index_cast %add3A_857 : i32 to index
    %swap3A_859 = arith.constant 0 : index
    %swap3A_860 = vector.load %arg4[%swap3A_858, %swap3A_859] : memref<32768x128xf32, #tpu.memory_space<vmem>>, vector<1x128xf32>
    tpu.vector_store %arg4[%swap3A_858, %swap3A_859], %get3A_855 {strides = array<i32>} : memref<32768x128xf32, #tpu.memory_space<vmem>>, vector<1x128xf32>,
    %get3A_861 = arith.constant 6 : index
    %get3A_862 = memref.load %arg1[%get3A_861] : memref<8xi32, #tpu.memory_space<smem>>
    %get3A_863 = arith.constant 86 : index
    %get3A_864 = arith.constant 0 : index
    %get3A_865 = vector.load %arg2[%get3A_863, %get3A_864] : memref<128x128xf32, #tpu.memory_space<vmem>>, vector<1x128xf32>
    %add3A_866 = arith.constant 20480 : i32
    %add3A_867 = arith.addi %add3A_866, %get3A_862 : i32
    %swap3A_868 = arith.index_cast %add3A_867 : i32 to index
    %swap3A_869 = arith.constant 0 : index
    %swap3A_870 = vector.load %arg4[%swap3A_868, %swap3A_869] : memref<32768x128xf32, #tpu.memory_space<vmem>>, vector<1x128xf32>
    tpu.vector_store %arg4[%swap3A_868, %swap3A_869], %get3A_865 {strides = array<i32>} : memref<32768x128xf32, #tpu.memory_space<vmem>>, vector<1x128xf32>,
    %get3A_871 = arith.constant 7 : index
    %get3A_872 = memref.load %arg1[%get3A_871] : memref<8xi32, #tpu.memory_space<smem>>
    %get3A_873 = arith.constant 87 : index
    %get3A_874 = arith.constant 0 : index
    %get3A_875 = vector.load %arg2[%get3A_873, %get3A_874] : memref<128x128xf32, #tpu.memory_space<vmem>>, vector<1x128xf32>
    %add3A_876 = arith.constant 20480 : i32
    %add3A_877 = arith.addi %add3A_876, %get3A_872 : i32
    %swap3A_878 = arith.index_cast %add3A_877 : i32 to index
    %swap3A_879 = arith.constant 0 : index
    %swap3A_880 = vector.load %arg4[%swap3A_878, %swap3A_879] : memref<32768x128xf32, #tpu.memory_space<vmem>>, vector<1x128xf32>
    tpu.vector_store %arg4[%swap3A_878, %swap3A_879], %get3A_875 {strides = array<i32>} : memref<32768x128xf32, #tpu.memory_space<vmem>>, vector<1x128xf32>,
    %get3A_881 = arith.constant 0 : index
    %get3A_882 = memref.load %arg1[%get3A_881] : memref<8xi32, #tpu.memory_space<smem>>
    %get3A_883 = arith.constant 88 : index
    %get3A_884 = arith.constant 0 : index
    %get3A_885 = vector.load %arg2[%get3A_883, %get3A_884] : memref<128x128xf32, #tpu.memory_space<vmem>>, vector<1x128xf32>
    %add3A_886 = arith.constant 22528 : i32
    %add3A_887 = arith.addi %add3A_886, %get3A_882 : i32
    %swap3A_888 = arith.index_cast %add3A_887 : i32 to index
    %swap3A_889 = arith.constant 0 : index
    %swap3A_890 = vector.load %arg4[%swap3A_888, %swap3A_889] : memref<32768x128xf32, #tpu.memory_space<vmem>>, vector<1x128xf32>
    tpu.vector_store %arg4[%swap3A_888, %swap3A_889], %get3A_885 {strides = array<i32>} : memref<32768x128xf32, #tpu.memory_space<vmem>>, vector<1x128xf32>,
    %get3A_891 = arith.constant 1 : index
    %get3A_892 = memref.load %arg1[%get3A_891] : memref<8xi32, #tpu.memory_space<smem>>
    %get3A_893 = arith.constant 89 : index
    %get3A_894 = arith.constant 0 : index
    %get3A_895 = vector.load %arg2[%get3A_893, %get3A_894] : memref<128x128xf32, #tpu.memory_space<vmem>>, vector<1x128xf32>
    %add3A_896 = arith.constant 22528 : i32
    %add3A_897 = arith.addi %add3A_896, %get3A_892 : i32
    %swap3A_898 = arith.index_cast %add3A_897 : i32 to index
    %swap3A_899 = arith.constant 0 : index
    %swap3A_900 = vector.load %arg4[%swap3A_898, %swap3A_899] : memref<32768x128xf32, #tpu.memory_space<vmem>>, vector<1x128xf32>
    tpu.vector_store %arg4[%swap3A_898, %swap3A_899], %get3A_895 {strides = array<i32>} : memref<32768x128xf32, #tpu.memory_space<vmem>>, vector<1x128xf32>,
    %get3A_901 = arith.constant 2 : index
    %get3A_902 = memref.load %arg1[%get3A_901] : memref<8xi32, #tpu.memory_space<smem>>
    %get3A_903 = arith.constant 90 : index
    %get3A_904 = arith.constant 0 : index
    %get3A_905 = vector.load %arg2[%get3A_903, %get3A_904] : memref<128x128xf32, #tpu.memory_space<vmem>>, vector<1x128xf32>
    %add3A_906 = arith.constant 22528 : i32
    %add3A_907 = arith.addi %add3A_906, %get3A_902 : i32
    %swap3A_908 = arith.index_cast %add3A_907 : i32 to index
    %swap3A_909 = arith.constant 0 : index
    %swap3A_910 = vector.load %arg4[%swap3A_908, %swap3A_909] : memref<32768x128xf32, #tpu.memory_space<vmem>>, vector<1x128xf32>
    tpu.vector_store %arg4[%swap3A_908, %swap3A_909], %get3A_905 {strides = array<i32>} : memref<32768x128xf32, #tpu.memory_space<vmem>>, vector<1x128xf32>,
    %get3A_911 = arith.constant 3 : index
    %get3A_912 = memref.load %arg1[%get3A_911] : memref<8xi32, #tpu.memory_space<smem>>
    %get3A_913 = arith.constant 91 : index
    %get3A_914 = arith.constant 0 : index
    %get3A_915 = vector.load %arg2[%get3A_913, %get3A_914] : memref<128x128xf32, #tpu.memory_space<vmem>>, vector<1x128xf32>
    %add3A_916 = arith.constant 22528 : i32
    %add3A_917 = arith.addi %add3A_916, %get3A_912 : i32
    %swap3A_918 = arith.index_cast %add3A_917 : i32 to index
    %swap3A_919 = arith.constant 0 : index
    %swap3A_920 = vector.load %arg4[%swap3A_918, %swap3A_919] : memref<32768x128xf32, #tpu.memory_space<vmem>>, vector<1x128xf32>
    tpu.vector_store %arg4[%swap3A_918, %swap3A_919], %get3A_915 {strides = array<i32>} : memref<32768x128xf32, #tpu.memory_space<vmem>>, vector<1x128xf32>,
    %get3A_921 = arith.constant 4 : index
    %get3A_922 = memref.load %arg1[%get3A_921] : memref<8xi32, #tpu.memory_space<smem>>
    %get3A_923 = arith.constant 92 : index
    %get3A_924 = arith.constant 0 : index
    %get3A_925 = vector.load %arg2[%get3A_923, %get3A_924] : memref<128x128xf32, #tpu.memory_space<vmem>>, vector<1x128xf32>
    %add3A_926 = arith.constant 22528 : i32
    %add3A_927 = arith.addi %add3A_926, %get3A_922 : i32
    %swap3A_928 = arith.index_cast %add3A_927 : i32 to index
    %swap3A_929 = arith.constant 0 : index
    %swap3A_930 = vector.load %arg4[%swap3A_928, %swap3A_929] : memref<32768x128xf32, #tpu.memory_space<vmem>>, vector<1x128xf32>
    tpu.vector_store %arg4[%swap3A_928, %swap3A_929], %get3A_925 {strides = array<i32>} : memref<32768x128xf32, #tpu.memory_space<vmem>>, vector<1x128xf32>,
    %get3A_931 = arith.constant 5 : index
    %get3A_932 = memref.load %arg1[%get3A_931] : memref<8xi32, #tpu.memory_space<smem>>
    %get3A_933 = arith.constant 93 : index
    %get3A_934 = arith.constant 0 : index
    %get3A_935 = vector.load %arg2[%get3A_933, %get3A_934] : memref<128x128xf32, #tpu.memory_space<vmem>>, vector<1x128xf32>
    %add3A_936 = arith.constant 22528 : i32
    %add3A_937 = arith.addi %add3A_936, %get3A_932 : i32
    %swap3A_938 = arith.index_cast %add3A_937 : i32 to index
    %swap3A_939 = arith.constant 0 : index
    %swap3A_940 = vector.load %arg4[%swap3A_938, %swap3A_939] : memref<32768x128xf32, #tpu.memory_space<vmem>>, vector<1x128xf32>
    tpu.vector_store %arg4[%swap3A_938, %swap3A_939], %get3A_935 {strides = array<i32>} : memref<32768x128xf32, #tpu.memory_space<vmem>>, vector<1x128xf32>,
    %get3A_941 = arith.constant 6 : index
    %get3A_942 = memref.load %arg1[%get3A_941] : memref<8xi32, #tpu.memory_space<smem>>
    %get3A_943 = arith.constant 94 : index
    %get3A_944 = arith.constant 0 : index
    %get3A_945 = vector.load %arg2[%get3A_943, %get3A_944] : memref<128x128xf32, #tpu.memory_space<vmem>>, vector<1x128xf32>
    %add3A_946 = arith.constant 22528 : i32
    %add3A_947 = arith.addi %add3A_946, %get3A_942 : i32
    %swap3A_948 = arith.index_cast %add3A_947 : i32 to index
    %swap3A_949 = arith.constant 0 : index
    %swap3A_950 = vector.load %arg4[%swap3A_948, %swap3A_949] : memref<32768x128xf32, #tpu.memory_space<vmem>>, vector<1x128xf32>
    tpu.vector_store %arg4[%swap3A_948, %swap3A_949], %get3A_945 {strides = array<i32>} : memref<32768x128xf32, #tpu.memory_space<vmem>>, vector<1x128xf32>,
    %get3A_951 = arith.constant 7 : index
    %get3A_952 = memref.load %arg1[%get3A_951] : memref<8xi32, #tpu.memory_space<smem>>
    %get3A_953 = arith.constant 95 : index
    %get3A_954 = arith.constant 0 : index
    %get3A_955 = vector.load %arg2[%get3A_953, %get3A_954] : memref<128x128xf32, #tpu.memory_space<vmem>>, vector<1x128xf32>
    %add3A_956 = arith.constant 22528 : i32
    %add3A_957 = arith.addi %add3A_956, %get3A_952 : i32
    %swap3A_958 = arith.index_cast %add3A_957 : i32 to index
    %swap3A_959 = arith.constant 0 : index
    %swap3A_960 = vector.load %arg4[%swap3A_958, %swap3A_959] : memref<32768x128xf32, #tpu.memory_space<vmem>>, vector<1x128xf32>
    tpu.vector_store %arg4[%swap3A_958, %swap3A_959], %get3A_955 {strides = array<i32>} : memref<32768x128xf32, #tpu.memory_space<vmem>>, vector<1x128xf32>,
    %get3A_961 = arith.constant 0 : index
    %get3A_962 = memref.load %arg1[%get3A_961] : memref<8xi32, #tpu.memory_space<smem>>
    %get3A_963 = arith.constant 96 : index
    %get3A_964 = arith.constant 0 : index
    %get3A_965 = vector.load %arg2[%get3A_963, %get3A_964] : memref<128x128xf32, #tpu.memory_space<vmem>>, vector<1x128xf32>
    %add3A_966 = arith.constant 24576 : i32
    %add3A_967 = arith.addi %add3A_966, %get3A_962 : i32
    %swap3A_968 = arith.index_cast %add3A_967 : i32 to index
    %swap3A_969 = arith.constant 0 : index
    %swap3A_970 = vector.load %arg4[%swap3A_968, %swap3A_969] : memref<32768x128xf32, #tpu.memory_space<vmem>>, vector<1x128xf32>
    tpu.vector_store %arg4[%swap3A_968, %swap3A_969], %get3A_965 {strides = array<i32>} : memref<32768x128xf32, #tpu.memory_space<vmem>>, vector<1x128xf32>,
    %get3A_971 = arith.constant 1 : index
    %get3A_972 = memref.load %arg1[%get3A_971] : memref<8xi32, #tpu.memory_space<smem>>
    %get3A_973 = arith.constant 97 : index
    %get3A_974 = arith.constant 0 : index
    %get3A_975 = vector.load %arg2[%get3A_973, %get3A_974] : memref<128x128xf32, #tpu.memory_space<vmem>>, vector<1x128xf32>
    %add3A_976 = arith.constant 24576 : i32
    %add3A_977 = arith.addi %add3A_976, %get3A_972 : i32
    %swap3A_978 = arith.index_cast %add3A_977 : i32 to index
    %swap3A_979 = arith.constant 0 : index
    %swap3A_980 = vector.load %arg4[%swap3A_978, %swap3A_979] : memref<32768x128xf32, #tpu.memory_space<vmem>>, vector<1x128xf32>
    tpu.vector_store %arg4[%swap3A_978, %swap3A_979], %get3A_975 {strides = array<i32>} : memref<32768x128xf32, #tpu.memory_space<vmem>>, vector<1x128xf32>,
    %get3A_981 = arith.constant 2 : index
    %get3A_982 = memref.load %arg1[%get3A_981] : memref<8xi32, #tpu.memory_space<smem>>
    %get3A_983 = arith.constant 98 : index
    %get3A_984 = arith.constant 0 : index
    %get3A_985 = vector.load %arg2[%get3A_983, %get3A_984] : memref<128x128xf32, #tpu.memory_space<vmem>>, vector<1x128xf32>
    %add3A_986 = arith.constant 24576 : i32
    %add3A_987 = arith.addi %add3A_986, %get3A_982 : i32
    %swap3A_988 = arith.index_cast %add3A_987 : i32 to index
    %swap3A_989 = arith.constant 0 : index
    %swap3A_990 = vector.load %arg4[%swap3A_988, %swap3A_989] : memref<32768x128xf32, #tpu.memory_space<vmem>>, vector<1x128xf32>
    tpu.vector_store %arg4[%swap3A_988, %swap3A_989], %get3A_985 {strides = array<i32>} : memref<32768x128xf32, #tpu.memory_space<vmem>>, vector<1x128xf32>,
    %get3A_991 = arith.constant 3 : index
    %get3A_992 = memref.load %arg1[%get3A_991] : memref<8xi32, #tpu.memory_space<smem>>
    %get3A_993 = arith.constant 99 : index
    %get3A_994 = arith.constant 0 : index
    %get3A_995 = vector.load %arg2[%get3A_993, %get3A_994] : memref<128x128xf32, #tpu.memory_space<vmem>>, vector<1x128xf32>
    %add3A_996 = arith.constant 24576 : i32
    %add3A_997 = arith.addi %add3A_996, %get3A_992 : i32
    %swap3A_998 = arith.index_cast %add3A_997 : i32 to index
    %swap3A_999 = arith.constant 0 : index
    %swap3A_1000 = vector.load %arg4[%swap3A_998, %swap3A_999] : memref<32768x128xf32, #tpu.memory_space<vmem>>, vector<1x128xf32>
    tpu.vector_store %arg4[%swap3A_998, %swap3A_999], %get3A_995 {strides = array<i32>} : memref<32768x128xf32, #tpu.memory_space<vmem>>, vector<1x128xf32>,
    %get3A_1001 = arith.constant 4 : index
    %get3A_1002 = memref.load %arg1[%get3A_1001] : memref<8xi32, #tpu.memory_space<smem>>
    %get3A_1003 = arith.constant 100 : index
    %get3A_1004 = arith.constant 0 : index
    %get3A_1005 = vector.load %arg2[%get3A_1003, %get3A_1004] : memref<128x128xf32, #tpu.memory_space<vmem>>, vector<1x128xf32>
    %add3A_1006 = arith.constant 24576 : i32
    %add3A_1007 = arith.addi %add3A_1006, %get3A_1002 : i32
    %swap3A_1008 = arith.index_cast %add3A_1007 : i32 to index
    %swap3A_1009 = arith.constant 0 : index
    %swap3A_1010 = vector.load %arg4[%swap3A_1008, %swap3A_1009] : memref<32768x128xf32, #tpu.memory_space<vmem>>, vector<1x128xf32>
    tpu.vector_store %arg4[%swap3A_1008, %swap3A_1009], %get3A_1005 {strides = array<i32>} : memref<32768x128xf32, #tpu.memory_space<vmem>>, vector<1x128xf32>,
    %get3A_1011 = arith.constant 5 : index
    %get3A_1012 = memref.load %arg1[%get3A_1011] : memref<8xi32, #tpu.memory_space<smem>>
    %get3A_1013 = arith.constant 101 : index
    %get3A_1014 = arith.constant 0 : index
    %get3A_1015 = vector.load %arg2[%get3A_1013, %get3A_1014] : memref<128x128xf32, #tpu.memory_space<vmem>>, vector<1x128xf32>
    %add3A_1016 = arith.constant 24576 : i32
    %add3A_1017 = arith.addi %add3A_1016, %get3A_1012 : i32
    %swap3A_1018 = arith.index_cast %add3A_1017 : i32 to index
    %swap3A_1019 = arith.constant 0 : index
    %swap3A_1020 = vector.load %arg4[%swap3A_1018, %swap3A_1019] : memref<32768x128xf32, #tpu.memory_space<vmem>>, vector<1x128xf32>
    tpu.vector_store %arg4[%swap3A_1018, %swap3A_1019], %get3A_1015 {strides = array<i32>} : memref<32768x128xf32, #tpu.memory_space<vmem>>, vector<1x128xf32>,
    %get3A_1021 = arith.constant 6 : index
    %get3A_1022 = memref.load %arg1[%get3A_1021] : memref<8xi32, #tpu.memory_space<smem>>
    %get3A_1023 = arith.constant 102 : index
    %get3A_1024 = arith.constant 0 : index
    %get3A_1025 = vector.load %arg2[%get3A_1023, %get3A_1024] : memref<128x128xf32, #tpu.memory_space<vmem>>, vector<1x128xf32>
    %add3A_1026 = arith.constant 24576 : i32
    %add3A_1027 = arith.addi %add3A_1026, %get3A_1022 : i32
    %swap3A_1028 = arith.index_cast %add3A_1027 : i32 to index
    %swap3A_1029 = arith.constant 0 : index
    %swap3A_1030 = vector.load %arg4[%swap3A_1028, %swap3A_1029] : memref<32768x128xf32, #tpu.memory_space<vmem>>, vector<1x128xf32>
    tpu.vector_store %arg4[%swap3A_1028, %swap3A_1029], %get3A_1025 {strides = array<i32>} : memref<32768x128xf32, #tpu.memory_space<vmem>>, vector<1x128xf32>,
    %get3A_1031 = arith.constant 7 : index
    %get3A_1032 = memref.load %arg1[%get3A_1031] : memref<8xi32, #tpu.memory_space<smem>>
    %get3A_1033 = arith.constant 103 : index
    %get3A_1034 = arith.constant 0 : index
    %get3A_1035 = vector.load %arg2[%get3A_1033, %get3A_1034] : memref<128x128xf32, #tpu.memory_space<vmem>>, vector<1x128xf32>
    %add3A_1036 = arith.constant 24576 : i32
    %add3A_1037 = arith.addi %add3A_1036, %get3A_1032 : i32
    %swap3A_1038 = arith.index_cast %add3A_1037 : i32 to index
    %swap3A_1039 = arith.constant 0 : index
    %swap3A_1040 = vector.load %arg4[%swap3A_1038, %swap3A_1039] : memref<32768x128xf32, #tpu.memory_space<vmem>>, vector<1x128xf32>
    tpu.vector_store %arg4[%swap3A_1038, %swap3A_1039], %get3A_1035 {strides = array<i32>} : memref<32768x128xf32, #tpu.memory_space<vmem>>, vector<1x128xf32>,
    %get3A_1041 = arith.constant 0 : index
    %get3A_1042 = memref.load %arg1[%get3A_1041] : memref<8xi32, #tpu.memory_space<smem>>
    %get3A_1043 = arith.constant 104 : index
    %get3A_1044 = arith.constant 0 : index
    %get3A_1045 = vector.load %arg2[%get3A_1043, %get3A_1044] : memref<128x128xf32, #tpu.memory_space<vmem>>, vector<1x128xf32>
    %add3A_1046 = arith.constant 26624 : i32
    %add3A_1047 = arith.addi %add3A_1046, %get3A_1042 : i32
    %swap3A_1048 = arith.index_cast %add3A_1047 : i32 to index
    %swap3A_1049 = arith.constant 0 : index
    %swap3A_1050 = vector.load %arg4[%swap3A_1048, %swap3A_1049] : memref<32768x128xf32, #tpu.memory_space<vmem>>, vector<1x128xf32>
    tpu.vector_store %arg4[%swap3A_1048, %swap3A_1049], %get3A_1045 {strides = array<i32>} : memref<32768x128xf32, #tpu.memory_space<vmem>>, vector<1x128xf32>,
    %get3A_1051 = arith.constant 1 : index
    %get3A_1052 = memref.load %arg1[%get3A_1051] : memref<8xi32, #tpu.memory_space<smem>>
    %get3A_1053 = arith.constant 105 : index
    %get3A_1054 = arith.constant 0 : index
    %get3A_1055 = vector.load %arg2[%get3A_1053, %get3A_1054] : memref<128x128xf32, #tpu.memory_space<vmem>>, vector<1x128xf32>
    %add3A_1056 = arith.constant 26624 : i32
    %add3A_1057 = arith.addi %add3A_1056, %get3A_1052 : i32
    %swap3A_1058 = arith.index_cast %add3A_1057 : i32 to index
    %swap3A_1059 = arith.constant 0 : index
    %swap3A_1060 = vector.load %arg4[%swap3A_1058, %swap3A_1059] : memref<32768x128xf32, #tpu.memory_space<vmem>>, vector<1x128xf32>
    tpu.vector_store %arg4[%swap3A_1058, %swap3A_1059], %get3A_1055 {strides = array<i32>} : memref<32768x128xf32, #tpu.memory_space<vmem>>, vector<1x128xf32>,
    %get3A_1061 = arith.constant 2 : index
    %get3A_1062 = memref.load %arg1[%get3A_1061] : memref<8xi32, #tpu.memory_space<smem>>
    %get3A_1063 = arith.constant 106 : index
    %get3A_1064 = arith.constant 0 : index
    %get3A_1065 = vector.load %arg2[%get3A_1063, %get3A_1064] : memref<128x128xf32, #tpu.memory_space<vmem>>, vector<1x128xf32>
    %add3A_1066 = arith.constant 26624 : i32
    %add3A_1067 = arith.addi %add3A_1066, %get3A_1062 : i32
    %swap3A_1068 = arith.index_cast %add3A_1067 : i32 to index
    %swap3A_1069 = arith.constant 0 : index
    %swap3A_1070 = vector.load %arg4[%swap3A_1068, %swap3A_1069] : memref<32768x128xf32, #tpu.memory_space<vmem>>, vector<1x128xf32>
    tpu.vector_store %arg4[%swap3A_1068, %swap3A_1069], %get3A_1065 {strides = array<i32>} : memref<32768x128xf32, #tpu.memory_space<vmem>>, vector<1x128xf32>,
    %get3A_1071 = arith.constant 3 : index
    %get3A_1072 = memref.load %arg1[%get3A_1071] : memref<8xi32, #tpu.memory_space<smem>>
    %get3A_1073 = arith.constant 107 : index
    %get3A_1074 = arith.constant 0 : index
    %get3A_1075 = vector.load %arg2[%get3A_1073, %get3A_1074] : memref<128x128xf32, #tpu.memory_space<vmem>>, vector<1x128xf32>
    %add3A_1076 = arith.constant 26624 : i32
    %add3A_1077 = arith.addi %add3A_1076, %get3A_1072 : i32
    %swap3A_1078 = arith.index_cast %add3A_1077 : i32 to index
    %swap3A_1079 = arith.constant 0 : index
    %swap3A_1080 = vector.load %arg4[%swap3A_1078, %swap3A_1079] : memref<32768x128xf32, #tpu.memory_space<vmem>>, vector<1x128xf32>
    tpu.vector_store %arg4[%swap3A_1078, %swap3A_1079], %get3A_1075 {strides = array<i32>} : memref<32768x128xf32, #tpu.memory_space<vmem>>, vector<1x128xf32>,
    %get3A_1081 = arith.constant 4 : index
    %get3A_1082 = memref.load %arg1[%get3A_1081] : memref<8xi32, #tpu.memory_space<smem>>
    %get3A_1083 = arith.constant 108 : index
    %get3A_1084 = arith.constant 0 : index
    %get3A_1085 = vector.load %arg2[%get3A_1083, %get3A_1084] : memref<128x128xf32, #tpu.memory_space<vmem>>, vector<1x128xf32>
    %add3A_1086 = arith.constant 26624 : i32
    %add3A_1087 = arith.addi %add3A_1086, %get3A_1082 : i32
    %swap3A_1088 = arith.index_cast %add3A_1087 : i32 to index
    %swap3A_1089 = arith.constant 0 : index
    %swap3A_1090 = vector.load %arg4[%swap3A_1088, %swap3A_1089] : memref<32768x128xf32, #tpu.memory_space<vmem>>, vector<1x128xf32>
    tpu.vector_store %arg4[%swap3A_1088, %swap3A_1089], %get3A_1085 {strides = array<i32>} : memref<32768x128xf32, #tpu.memory_space<vmem>>, vector<1x128xf32>,
    %get3A_1091 = arith.constant 5 : index
    %get3A_1092 = memref.load %arg1[%get3A_1091] : memref<8xi32, #tpu.memory_space<smem>>
    %get3A_1093 = arith.constant 109 : index
    %get3A_1094 = arith.constant 0 : index
    %get3A_1095 = vector.load %arg2[%get3A_1093, %get3A_1094] : memref<128x128xf32, #tpu.memory_space<vmem>>, vector<1x128xf32>
    %add3A_1096 = arith.constant 26624 : i32
    %add3A_1097 = arith.addi %add3A_1096, %get3A_1092 : i32
    %swap3A_1098 = arith.index_cast %add3A_1097 : i32 to index
    %swap3A_1099 = arith.constant 0 : index
    %swap3A_1100 = vector.load %arg4[%swap3A_1098, %swap3A_1099] : memref<32768x128xf32, #tpu.memory_space<vmem>>, vector<1x128xf32>
    tpu.vector_store %arg4[%swap3A_1098, %swap3A_1099], %get3A_1095 {strides = array<i32>} : memref<32768x128xf32, #tpu.memory_space<vmem>>, vector<1x128xf32>,
    %get3A_1101 = arith.constant 6 : index
    %get3A_1102 = memref.load %arg1[%get3A_1101] : memref<8xi32, #tpu.memory_space<smem>>
    %get3A_1103 = arith.constant 110 : index
    %get3A_1104 = arith.constant 0 : index
    %get3A_1105 = vector.load %arg2[%get3A_1103, %get3A_1104] : memref<128x128xf32, #tpu.memory_space<vmem>>, vector<1x128xf32>
    %add3A_1106 = arith.constant 26624 : i32
    %add3A_1107 = arith.addi %add3A_1106, %get3A_1102 : i32
    %swap3A_1108 = arith.index_cast %add3A_1107 : i32 to index
    %swap3A_1109 = arith.constant 0 : index
    %swap3A_1110 = vector.load %arg4[%swap3A_1108, %swap3A_1109] : memref<32768x128xf32, #tpu.memory_space<vmem>>, vector<1x128xf32>
    tpu.vector_store %arg4[%swap3A_1108, %swap3A_1109], %get3A_1105 {strides = array<i32>} : memref<32768x128xf32, #tpu.memory_space<vmem>>, vector<1x128xf32>,
    %get3A_1111 = arith.constant 7 : index
    %get3A_1112 = memref.load %arg1[%get3A_1111] : memref<8xi32, #tpu.memory_space<smem>>
    %get3A_1113 = arith.constant 111 : index
    %get3A_1114 = arith.constant 0 : index
    %get3A_1115 = vector.load %arg2[%get3A_1113, %get3A_1114] : memref<128x128xf32, #tpu.memory_space<vmem>>, vector<1x128xf32>
    %add3A_1116 = arith.constant 26624 : i32
    %add3A_1117 = arith.addi %add3A_1116, %get3A_1112 : i32
    %swap3A_1118 = arith.index_cast %add3A_1117 : i32 to index
    %swap3A_1119 = arith.constant 0 : index
    %swap3A_1120 = vector.load %arg4[%swap3A_1118, %swap3A_1119] : memref<32768x128xf32, #tpu.memory_space<vmem>>, vector<1x128xf32>
    tpu.vector_store %arg4[%swap3A_1118, %swap3A_1119], %get3A_1115 {strides = array<i32>} : memref<32768x128xf32, #tpu.memory_space<vmem>>, vector<1x128xf32>,
    %get3A_1121 = arith.constant 0 : index
    %get3A_1122 = memref.load %arg1[%get3A_1121] : memref<8xi32, #tpu.memory_space<smem>>
    %get3A_1123 = arith.constant 112 : index
    %get3A_1124 = arith.constant 0 : index
    %get3A_1125 = vector.load %arg2[%get3A_1123, %get3A_1124] : memref<128x128xf32, #tpu.memory_space<vmem>>, vector<1x128xf32>
    %add3A_1126 = arith.constant 28672 : i32
    %add3A_1127 = arith.addi %add3A_1126, %get3A_1122 : i32
    %swap3A_1128 = arith.index_cast %add3A_1127 : i32 to index
    %swap3A_1129 = arith.constant 0 : index
    %swap3A_1130 = vector.load %arg4[%swap3A_1128, %swap3A_1129] : memref<32768x128xf32, #tpu.memory_space<vmem>>, vector<1x128xf32>
    tpu.vector_store %arg4[%swap3A_1128, %swap3A_1129], %get3A_1125 {strides = array<i32>} : memref<32768x128xf32, #tpu.memory_space<vmem>>, vector<1x128xf32>,
    %get3A_1131 = arith.constant 1 : index
    %get3A_1132 = memref.load %arg1[%get3A_1131] : memref<8xi32, #tpu.memory_space<smem>>
    %get3A_1133 = arith.constant 113 : index
    %get3A_1134 = arith.constant 0 : index
    %get3A_1135 = vector.load %arg2[%get3A_1133, %get3A_1134] : memref<128x128xf32, #tpu.memory_space<vmem>>, vector<1x128xf32>
    %add3A_1136 = arith.constant 28672 : i32
    %add3A_1137 = arith.addi %add3A_1136, %get3A_1132 : i32
    %swap3A_1138 = arith.index_cast %add3A_1137 : i32 to index
    %swap3A_1139 = arith.constant 0 : index
    %swap3A_1140 = vector.load %arg4[%swap3A_1138, %swap3A_1139] : memref<32768x128xf32, #tpu.memory_space<vmem>>, vector<1x128xf32>
    tpu.vector_store %arg4[%swap3A_1138, %swap3A_1139], %get3A_1135 {strides = array<i32>} : memref<32768x128xf32, #tpu.memory_space<vmem>>, vector<1x128xf32>,
    %get3A_1141 = arith.constant 2 : index
    %get3A_1142 = memref.load %arg1[%get3A_1141] : memref<8xi32, #tpu.memory_space<smem>>
    %get3A_1143 = arith.constant 114 : index
    %get3A_1144 = arith.constant 0 : index
    %get3A_1145 = vector.load %arg2[%get3A_1143, %get3A_1144] : memref<128x128xf32, #tpu.memory_space<vmem>>, vector<1x128xf32>
    %add3A_1146 = arith.constant 28672 : i32
    %add3A_1147 = arith.addi %add3A_1146, %get3A_1142 : i32
    %swap3A_1148 = arith.index_cast %add3A_1147 : i32 to index
    %swap3A_1149 = arith.constant 0 : index
    %swap3A_1150 = vector.load %arg4[%swap3A_1148, %swap3A_1149] : memref<32768x128xf32, #tpu.memory_space<vmem>>, vector<1x128xf32>
    tpu.vector_store %arg4[%swap3A_1148, %swap3A_1149], %get3A_1145 {strides = array<i32>} : memref<32768x128xf32, #tpu.memory_space<vmem>>, vector<1x128xf32>,
    %get3A_1151 = arith.constant 3 : index
    %get3A_1152 = memref.load %arg1[%get3A_1151] : memref<8xi32, #tpu.memory_space<smem>>
    %get3A_1153 = arith.constant 115 : index
    %get3A_1154 = arith.constant 0 : index
    %get3A_1155 = vector.load %arg2[%get3A_1153, %get3A_1154] : memref<128x128xf32, #tpu.memory_space<vmem>>, vector<1x128xf32>
    %add3A_1156 = arith.constant 28672 : i32
    %add3A_1157 = arith.addi %add3A_1156, %get3A_1152 : i32
    %swap3A_1158 = arith.index_cast %add3A_1157 : i32 to index
    %swap3A_1159 = arith.constant 0 : index
    %swap3A_1160 = vector.load %arg4[%swap3A_1158, %swap3A_1159] : memref<32768x128xf32, #tpu.memory_space<vmem>>, vector<1x128xf32>
    tpu.vector_store %arg4[%swap3A_1158, %swap3A_1159], %get3A_1155 {strides = array<i32>} : memref<32768x128xf32, #tpu.memory_space<vmem>>, vector<1x128xf32>,
    %get3A_1161 = arith.constant 4 : index
    %get3A_1162 = memref.load %arg1[%get3A_1161] : memref<8xi32, #tpu.memory_space<smem>>
    %get3A_1163 = arith.constant 116 : index
    %get3A_1164 = arith.constant 0 : index
    %get3A_1165 = vector.load %arg2[%get3A_1163, %get3A_1164] : memref<128x128xf32, #tpu.memory_space<vmem>>, vector<1x128xf32>
    %add3A_1166 = arith.constant 28672 : i32
    %add3A_1167 = arith.addi %add3A_1166, %get3A_1162 : i32
    %swap3A_1168 = arith.index_cast %add3A_1167 : i32 to index
    %swap3A_1169 = arith.constant 0 : index
    %swap3A_1170 = vector.load %arg4[%swap3A_1168, %swap3A_1169] : memref<32768x128xf32, #tpu.memory_space<vmem>>, vector<1x128xf32>
    tpu.vector_store %arg4[%swap3A_1168, %swap3A_1169], %get3A_1165 {strides = array<i32>} : memref<32768x128xf32, #tpu.memory_space<vmem>>, vector<1x128xf32>,
    %get3A_1171 = arith.constant 5 : index
    %get3A_1172 = memref.load %arg1[%get3A_1171] : memref<8xi32, #tpu.memory_space<smem>>
    %get3A_1173 = arith.constant 117 : index
    %get3A_1174 = arith.constant 0 : index
    %get3A_1175 = vector.load %arg2[%get3A_1173, %get3A_1174] : memref<128x128xf32, #tpu.memory_space<vmem>>, vector<1x128xf32>
    %add3A_1176 = arith.constant 28672 : i32
    %add3A_1177 = arith.addi %add3A_1176, %get3A_1172 : i32
    %swap3A_1178 = arith.index_cast %add3A_1177 : i32 to index
    %swap3A_1179 = arith.constant 0 : index
    %swap3A_1180 = vector.load %arg4[%swap3A_1178, %swap3A_1179] : memref<32768x128xf32, #tpu.memory_space<vmem>>, vector<1x128xf32>
    tpu.vector_store %arg4[%swap3A_1178, %swap3A_1179], %get3A_1175 {strides = array<i32>} : memref<32768x128xf32, #tpu.memory_space<vmem>>, vector<1x128xf32>,
    %get3A_1181 = arith.constant 6 : index
    %get3A_1182 = memref.load %arg1[%get3A_1181] : memref<8xi32, #tpu.memory_space<smem>>
    %get3A_1183 = arith.constant 118 : index
    %get3A_1184 = arith.constant 0 : index
    %get3A_1185 = vector.load %arg2[%get3A_1183, %get3A_1184] : memref<128x128xf32, #tpu.memory_space<vmem>>, vector<1x128xf32>
    %add3A_1186 = arith.constant 28672 : i32
    %add3A_1187 = arith.addi %add3A_1186, %get3A_1182 : i32
    %swap3A_1188 = arith.index_cast %add3A_1187 : i32 to index
    %swap3A_1189 = arith.constant 0 : index
    %swap3A_1190 = vector.load %arg4[%swap3A_1188, %swap3A_1189] : memref<32768x128xf32, #tpu.memory_space<vmem>>, vector<1x128xf32>
    tpu.vector_store %arg4[%swap3A_1188, %swap3A_1189], %get3A_1185 {strides = array<i32>} : memref<32768x128xf32, #tpu.memory_space<vmem>>, vector<1x128xf32>,
    %get3A_1191 = arith.constant 7 : index
    %get3A_1192 = memref.load %arg1[%get3A_1191] : memref<8xi32, #tpu.memory_space<smem>>
    %get3A_1193 = arith.constant 119 : index
    %get3A_1194 = arith.constant 0 : index
    %get3A_1195 = vector.load %arg2[%get3A_1193, %get3A_1194] : memref<128x128xf32, #tpu.memory_space<vmem>>, vector<1x128xf32>
    %add3A_1196 = arith.constant 28672 : i32
    %add3A_1197 = arith.addi %add3A_1196, %get3A_1192 : i32
    %swap3A_1198 = arith.index_cast %add3A_1197 : i32 to index
    %swap3A_1199 = arith.constant 0 : index
    %swap3A_1200 = vector.load %arg4[%swap3A_1198, %swap3A_1199] : memref<32768x128xf32, #tpu.memory_space<vmem>>, vector<1x128xf32>
    tpu.vector_store %arg4[%swap3A_1198, %swap3A_1199], %get3A_1195 {strides = array<i32>} : memref<32768x128xf32, #tpu.memory_space<vmem>>, vector<1x128xf32>,
    %get3A_1201 = arith.constant 0 : index
    %get3A_1202 = memref.load %arg1[%get3A_1201] : memref<8xi32, #tpu.memory_space<smem>>
    %get3A_1203 = arith.constant 120 : index
    %get3A_1204 = arith.constant 0 : index
    %get3A_1205 = vector.load %arg2[%get3A_1203, %get3A_1204] : memref<128x128xf32, #tpu.memory_space<vmem>>, vector<1x128xf32>
    %add3A_1206 = arith.constant 30720 : i32
    %add3A_1207 = arith.addi %add3A_1206, %get3A_1202 : i32
    %swap3A_1208 = arith.index_cast %add3A_1207 : i32 to index
    %swap3A_1209 = arith.constant 0 : index
    %swap3A_1210 = vector.load %arg4[%swap3A_1208, %swap3A_1209] : memref<32768x128xf32, #tpu.memory_space<vmem>>, vector<1x128xf32>
    tpu.vector_store %arg4[%swap3A_1208, %swap3A_1209], %get3A_1205 {strides = array<i32>} : memref<32768x128xf32, #tpu.memory_space<vmem>>, vector<1x128xf32>,
    %get3A_1211 = arith.constant 1 : index
    %get3A_1212 = memref.load %arg1[%get3A_1211] : memref<8xi32, #tpu.memory_space<smem>>
    %get3A_1213 = arith.constant 121 : index
    %get3A_1214 = arith.constant 0 : index
    %get3A_1215 = vector.load %arg2[%get3A_1213, %get3A_1214] : memref<128x128xf32, #tpu.memory_space<vmem>>, vector<1x128xf32>
    %add3A_1216 = arith.constant 30720 : i32
    %add3A_1217 = arith.addi %add3A_1216, %get3A_1212 : i32
    %swap3A_1218 = arith.index_cast %add3A_1217 : i32 to index
    %swap3A_1219 = arith.constant 0 : index
    %swap3A_1220 = vector.load %arg4[%swap3A_1218, %swap3A_1219] : memref<32768x128xf32, #tpu.memory_space<vmem>>, vector<1x128xf32>
    tpu.vector_store %arg4[%swap3A_1218, %swap3A_1219], %get3A_1215 {strides = array<i32>} : memref<32768x128xf32, #tpu.memory_space<vmem>>, vector<1x128xf32>,
    %get3A_1221 = arith.constant 2 : index
    %get3A_1222 = memref.load %arg1[%get3A_1221] : memref<8xi32, #tpu.memory_space<smem>>
    %get3A_1223 = arith.constant 122 : index
    %get3A_1224 = arith.constant 0 : index
    %get3A_1225 = vector.load %arg2[%get3A_1223, %get3A_1224] : memref<128x128xf32, #tpu.memory_space<vmem>>, vector<1x128xf32>
    %add3A_1226 = arith.constant 30720 : i32
    %add3A_1227 = arith.addi %add3A_1226, %get3A_1222 : i32
    %swap3A_1228 = arith.index_cast %add3A_1227 : i32 to index
    %swap3A_1229 = arith.constant 0 : index
    %swap3A_1230 = vector.load %arg4[%swap3A_1228, %swap3A_1229] : memref<32768x128xf32, #tpu.memory_space<vmem>>, vector<1x128xf32>
    tpu.vector_store %arg4[%swap3A_1228, %swap3A_1229], %get3A_1225 {strides = array<i32>} : memref<32768x128xf32, #tpu.memory_space<vmem>>, vector<1x128xf32>,
    %get3A_1231 = arith.constant 3 : index
    %get3A_1232 = memref.load %arg1[%get3A_1231] : memref<8xi32, #tpu.memory_space<smem>>
    %get3A_1233 = arith.constant 123 : index
    %get3A_1234 = arith.constant 0 : index
    %get3A_1235 = vector.load %arg2[%get3A_1233, %get3A_1234] : memref<128x128xf32, #tpu.memory_space<vmem>>, vector<1x128xf32>
    %add3A_1236 = arith.constant 30720 : i32
    %add3A_1237 = arith.addi %add3A_1236, %get3A_1232 : i32
    %swap3A_1238 = arith.index_cast %add3A_1237 : i32 to index
    %swap3A_1239 = arith.constant 0 : index
    %swap3A_1240 = vector.load %arg4[%swap3A_1238, %swap3A_1239] : memref<32768x128xf32, #tpu.memory_space<vmem>>, vector<1x128xf32>
    tpu.vector_store %arg4[%swap3A_1238, %swap3A_1239], %get3A_1235 {strides = array<i32>} : memref<32768x128xf32, #tpu.memory_space<vmem>>, vector<1x128xf32>,
    %get3A_1241 = arith.constant 4 : index
    %get3A_1242 = memref.load %arg1[%get3A_1241] : memref<8xi32, #tpu.memory_space<smem>>
    %get3A_1243 = arith.constant 124 : index
    %get3A_1244 = arith.constant 0 : index
    %get3A_1245 = vector.load %arg2[%get3A_1243, %get3A_1244] : memref<128x128xf32, #tpu.memory_space<vmem>>, vector<1x128xf32>
    %add3A_1246 = arith.constant 30720 : i32
    %add3A_1247 = arith.addi %add3A_1246, %get3A_1242 : i32
    %swap3A_1248 = arith.index_cast %add3A_1247 : i32 to index
    %swap3A_1249 = arith.constant 0 : index
    %swap3A_1250 = vector.load %arg4[%swap3A_1248, %swap3A_1249] : memref<32768x128xf32, #tpu.memory_space<vmem>>, vector<1x128xf32>
    tpu.vector_store %arg4[%swap3A_1248, %swap3A_1249], %get3A_1245 {strides = array<i32>} : memref<32768x128xf32, #tpu.memory_space<vmem>>, vector<1x128xf32>,
    %get3A_1251 = arith.constant 5 : index
    %get3A_1252 = memref.load %arg1[%get3A_1251] : memref<8xi32, #tpu.memory_space<smem>>
    %get3A_1253 = arith.constant 125 : index
    %get3A_1254 = arith.constant 0 : index
    %get3A_1255 = vector.load %arg2[%get3A_1253, %get3A_1254] : memref<128x128xf32, #tpu.memory_space<vmem>>, vector<1x128xf32>
    %add3A_1256 = arith.constant 30720 : i32
    %add3A_1257 = arith.addi %add3A_1256, %get3A_1252 : i32
    %swap3A_1258 = arith.index_cast %add3A_1257 : i32 to index
    %swap3A_1259 = arith.constant 0 : index
    %swap3A_1260 = vector.load %arg4[%swap3A_1258, %swap3A_1259] : memref<32768x128xf32, #tpu.memory_space<vmem>>, vector<1x128xf32>
    tpu.vector_store %arg4[%swap3A_1258, %swap3A_1259], %get3A_1255 {strides = array<i32>} : memref<32768x128xf32, #tpu.memory_space<vmem>>, vector<1x128xf32>,
    %get3A_1261 = arith.constant 6 : index
    %get3A_1262 = memref.load %arg1[%get3A_1261] : memref<8xi32, #tpu.memory_space<smem>>
    %get3A_1263 = arith.constant 126 : index
    %get3A_1264 = arith.constant 0 : index
    %get3A_1265 = vector.load %arg2[%get3A_1263, %get3A_1264] : memref<128x128xf32, #tpu.memory_space<vmem>>, vector<1x128xf32>
    %add3A_1266 = arith.constant 30720 : i32
    %add3A_1267 = arith.addi %add3A_1266, %get3A_1262 : i32
    %swap3A_1268 = arith.index_cast %add3A_1267 : i32 to index
    %swap3A_1269 = arith.constant 0 : index
    %swap3A_1270 = vector.load %arg4[%swap3A_1268, %swap3A_1269] : memref<32768x128xf32, #tpu.memory_space<vmem>>, vector<1x128xf32>
    tpu.vector_store %arg4[%swap3A_1268, %swap3A_1269], %get3A_1265 {strides = array<i32>} : memref<32768x128xf32, #tpu.memory_space<vmem>>, vector<1x128xf32>,
    %get3A_1271 = arith.constant 7 : index
    %get3A_1272 = memref.load %arg1[%get3A_1271] : memref<8xi32, #tpu.memory_space<smem>>
    %get3A_1273 = arith.constant 127 : index
    %get3A_1274 = arith.constant 0 : index
    %get3A_1275 = vector.load %arg2[%get3A_1273, %get3A_1274] : memref<128x128xf32, #tpu.memory_space<vmem>>, vector<1x128xf32>
    %add3A_1276 = arith.constant 30720 : i32
    %add3A_1277 = arith.addi %add3A_1276, %get3A_1272 : i32
    %swap3A_1278 = arith.index_cast %add3A_1277 : i32 to index
    %swap3A_1279 = arith.constant 0 : index
    %swap3A_1280 = vector.load %arg4[%swap3A_1278, %swap3A_1279] : memref<32768x128xf32, #tpu.memory_space<vmem>>, vector<1x128xf32>
    tpu.vector_store %arg4[%swap3A_1278, %swap3A_1279], %get3A_1275 {strides = array<i32>} : memref<32768x128xf32, #tpu.memory_space<vmem>>, vector<1x128xf32>,
    return
  }
  func.func @transform_0(%arg0: i32) -> i32 {
    %c0_i32 = arith.constant 0 : i32
    %c0_i32_0 = arith.constant 0 : i32
    return %c0_i32 : i32
  }
  func.func @transform_1(%arg0: i32) -> (i32, i32) {
    %add3A = arith.constant 8 : i32
    %add3A_0 = arith.addi %arg0, %add3A : i32
    %c0_i32 = arith.constant 0 : i32
    %c0_i32_1 = arith.constant 0 : i32
    return %add3A_0, %c0_i32 : i32, i32
  }
  func.func @transform_3(%arg0: i32) -> (i32, i32) {
    %add3A = arith.constant 8 : i32
    %add3A_0 = arith.addi %arg0, %add3A : i32
    %c0_i32 = arith.constant 0 : i32
    %c0_i32_1 = arith.constant 0 : i32
    return %add3A_0, %c0_i32 : i32, i32
  }
}

</mosaic_0001>

<sc_bundles>
// kernel: kernel.4.cloned.1.call-start
scs
__scs_entry_jumppad:
0x0: {  	(pc) =	sbr.rel $0x88, $3  }
0x1: {  	(tag) =	ssettag $0x0;
	lr =	simm.s32 $0x1  }
0x2: {  	[smem:$0x3F9F] =	sst lr;
	_ =	strace $0xD0000000  }
0x3: {  	_ = 	snop  }
0x4: {  	_ = 	snop  }
0x5: {  	_ = 	snop  }
0x6: {  	_ = 	snop  }
0x7: {  	_ = 	snop  }
__scs_overlays_trampoline_lowered:
0x8: {  	[smem:$0x3FAE] =	sst s0  }
0x9: {  	[smem:$0x3FAF] =	sst s1  }
0xa: {  	[smem:$0x3FB0] =	sst s2  }
0xb: {  	[smem:$0x3FB1] =	sst s3  }
0xc: {  	[smem:$0x3FB2] =	sst s4  }
0xd: {  	[smem:$0x3FB3] =	sst s5  }
0xe: {  	[smem:$0x3FB4] =	sst s6  }
0xf: {  	[smem:$0x3FB5] =	sst s7  }
0x10: {  	[smem:$0x3FB6] =	sst s8  }
0x11: {  	[smem:$0x3FB7] =	sst s9;
	s0 =	simm.s32 @!p0 $0x0  }
0x12: {  	s1 =	sld [smem:$0x3F9D];
	s0 =	simm.s32 @p0 $0x1  }
0x13: {  	[smem:$0x3FB8] =	sst s0;
	s0 =	simm.s32 @!p1 $0x0  }
0x14: {  	s2 =	sld [smem:$0x3F9C];
	s0 =	simm.s32 @p1 $0x1  }
0x15: {  	[smem:$0x3FB9] =	sst s0;
	s0 =	simm.s32 @!p2 $0x0  }
0x16: {  	s3 =	sld [smem:$0x3FDB];
	s0 =	simm.s32 @p2 $0x1  }
0x17: {  	s4 =	simm.s32 $0x1BF5;
	[smem:$0x3FBB] =	sst s0  }
0x18: {  	s0 =	sld [smem:$0x3F9E];
	_ =	swait.ge [sflag:s4], $0x0  }
0x19: {  	s7 =	sld [smem:$0x3F9F]  }
0x1a: {  	s8 =	sadd.s32 $0xFFFFE003, lr  }
0x1b: {  	s9 =	sadd.s32 $0xFFFFFEF7, lr;
	s5 =	simm.s32 $0xFFFFFFFF;
	p2 =	slt.u32 s8, $0xFFFFF086  }
0x1c: {  	p1 =	slt.u32 s9, $0xF7A;
	s5 =	simm.s32 @!p2 $0x0  }
0x1d: {  	s5 =	simm.s32 @p1 $0x1;
	p0 =	seq.s32 s7, s2  }
0x1e: {  	s7 =	smul.u32 @!p0 $0xF7A, s2;
	p2 =	seq.s32 @!p0 s5, $0x0  }
0x1f: {  	s9 =	smul.u32 $0xF7A, s1;
	s8 =	simm.s32 @!p0 $0x1BF5;
	p2 =	por !p2, p0  }
0x20: {  	[sflag:s8] =	ssyncset.s32 @!p0 $0xFFFFF086;
	s6 =	sadd.s32 @!p0 s3, s7;
	s7 =	simm.s32 @!p0 $0x108  }
0x21: {  	s3 =	sadd.s32 s3, s9;
	s6 =	sadd.s32 @!p0 $0x88, s6;
	s7 =	simm.s32 @p2 $0x1082  }
0x22: {  	[simem:s7], [sflag:s8] =	dma.local @!p0 [hbm:s6], $0xF7A  }
0x23: {  	s9 =	sor.u32 $0xD0000000, s2;
	s6 =	simm.s32 $0x108;
	_ =	swait.ge @!p0 [sflag:s8], $0x0  }
0x24: {  	s3 =	sadd.s32 $0x88, s3;
	s6 =	simm.s32 @!p1 $0x1082;
	[sflag:s4] =	ssyncset.s32 $0xFFFFF086  }
0x25: {  	[simem:s6], [sflag:s4] =	dma.local [hbm:s3], $0xF7A  }
0x26: {  	[smem:$0x3F9F] =	sst s1;
	(tag) =	ssettag s2;
	_ =	strace s9  }
0x27: {  	s1 =	sld [smem:$0x3FAF]  }
0x28: {  	s2 =	sld [smem:$0x3FB0]  }
0x29: {  	s4 =	sld [smem:$0x3FB2]  }
0x2a: {  	p0 =	seq.s32 s5, $0x0;
	s5 =	sld [smem:$0x3FB3]  }
0x2b: {  	s6 =	sld [smem:$0x3FB4]  }
0x2c: {  	s7 =	sld [smem:$0x3FB5]  }
0x2d: {  	s3 =	simm.s32 $0x108;
	s8 =	sld [smem:$0x3FB6]  }
0x2e: {  	s3 =	simm.s32 @!p0 $0x1082;
	s9 =	sld [smem:$0x3FB7]  }
0x2f: {  	lr =	sadd.s32 s0, s3;
	s0 =	sld [smem:$0x3FAE]  }
0x30: {  	s3 =	sld [smem:$0x3FB1]  }
0x31: {  	[smem:$0x3FBA] =	sst s10  }
0x32: {  	s10 =	sld [smem:$0x3FB8];
	_ =	sdelay $0x3  }
0x33: {  	p0 =	seq.s32 s10, $0x1;
	s10 =	sld [smem:$0x3FBA];
	_ =	sdelay $0x3  }
0x34: {  	[smem:$0x3FBA] =	sst s10  }
0x35: {  	s10 =	sld [smem:$0x3FB9];
	_ =	sdelay $0x3  }
0x36: {  	p1 =	seq.s32 s10, $0x1;
	s10 =	sld [smem:$0x3FBA];
	_ =	sdelay $0x3  }
0x37: {  	[smem:$0x3FBA] =	sst s10  }
0x38: {  	s10 =	sld [smem:$0x3FBB]  }
0x39: {  	_ = 	snop;
	(pc) =	sbr.ind lr, $3  }
0x3a: {  	_ = 	snop  }
0x3b: {  	_ = 	snop  }
0x3c: {  	p2 =	seq.s32 s10, $0x1;
	s10 =	sld [smem:$0x3FBA]  }
0x3d: {  	_ =	shalt  }
0x3e: {  	_ =	shalt  }
0x3f: {  	_ =	shalt  }
0x40: {  	_ =	shalt  }
0x41: {  	_ =	shalt  }
0x42: {  	_ =	shalt  }
0x43: {  	_ =	shalt  }
0x44: {  	_ =	shalt  }
0x45: {  	_ =	shalt  }
0x46: {  	_ =	shalt  }
0x47: {  	_ =	shalt  }
0x48: {  	_ =	shalt  }
0x49: {  	_ =	shalt  }
0x4a: {  	_ =	shalt  }
0x4b: {  	_ =	shalt  }
0x4c: {  	_ =	shalt  }
0x4d: {  	_ =	shalt  }
0x4e: {  	_ =	shalt  }
0x4f: {  	_ =	shalt  }
0x50: {  	_ =	shalt  }
0x51: {  	_ =	shalt  }
0x52: {  	_ =	shalt  }
0x53: {  	_ =	shalt  }
0x54: {  	_ =	shalt  }
0x55: {  	_ =	shalt  }
0x56: {  	_ =	shalt  }
0x57: {  	_ =	shalt  }
0x58: {  	_ =	shalt  }
0x59: {  	_ =	shalt  }
0x5a: {  	_ =	shalt  }
0x5b: {  	_ =	shalt  }
0x5c: {  	_ =	shalt  }
0x5d: {  	_ =	shalt  }
0x5e: {  	_ =	shalt  }
0x5f: {  	_ =	shalt  }
0x60: {  	_ =	shalt  }
0x61: {  	_ =	shalt  }
0x62: {  	_ =	shalt  }
0x63: {  	_ =	shalt  }
0x64: {  	_ =	shalt  }
0x65: {  	_ =	shalt  }
0x66: {  	_ =	shalt  }
0x67: {  	_ =	shalt  }
0x68: {  	_ =	shalt  }
0x69: {  	_ =	shalt  }
0x6a: {  	_ =	shalt  }
0x6b: {  	_ =	shalt  }
0x6c: {  	_ =	shalt  }
0x6d: {  	_ =	shalt  }
0x6e: {  	_ =	shalt  }
0x6f: {  	_ =	shalt  }
0x70: {  	_ =	shalt  }
0x71: {  	_ =	shalt  }
0x72: {  	_ =	shalt  }
0x73: {  	_ =	shalt  }
0x74: {  	_ =	shalt  }
0x75: {  	_ =	shalt  }
0x76: {  	_ =	shalt  }
0x77: {  	_ =	shalt  }
0x78: {  	_ =	shalt  }
0x79: {  	_ =	shalt  }
0x7a: {  	_ =	shalt  }
0x7b: {  	_ =	shalt  }
0x7c: {  	_ =	shalt  }
0x7d: {  	_ =	shalt  }
0x7e: {  	_ =	shalt  }
0x7f: {  	_ =	shalt  }
0x80: {  	_ =	shalt  }
0x81: {  	_ =	shalt  }
0x82: {  	_ =	shalt  }
0x83: {  	_ =	shalt  }
0x84: {  	_ =	shalt  }
0x85: {  	_ =	shalt  }
0x86: {  	_ =	shalt  }
0x87: {  	_ =	shalt  }
.Lfunc_end0:
.L_simem_size_0:
called_computation_lowered:
.L_overlay_start_0:
0x88: {  	s2 =	sld [smem:$0x3FD9]  }
0x89: {  	s3 =	sld [smem:$0x3FFE];
	_ =	sdelay $0x1  }
0x8a: {  	s1 =	srdreg.scid  }
0x8b: {  	s0 =	sand.u32 $0x1, s1  }
0x8c: {  	s14 =	sshll.u32 s0, $0xA;
	s2 =	sadd.s32 s3, s2  }
0x8d: {  	s2 =	sadd.s32 s2, s14  }
0x8e: {  	[smem:$0x3FC6] =	sst s2  }
0x8f: {  	_ = 	snop  }
0x90: {  	s2 =	sld [smem:$0x3FD0];
	_ =	sdelay $0x2  }
0x91: {  	s15 =	simm.s32 $0xA;
	s4 =	simm.s32 $0x10  }
0x92: {  	[smem:s4], [sflag:s15] =	dma.local [hbm:s2], $0x1  }
0x93: {  	_ =	swait.eq [sflag:s15], $0x1  }
0x94: {  	[sflag:s15] =	ssyncset.done $0x0  }
0x95: {  	s16 =	sld [smem:$0x10];
	[sflag:s15] =	ssyncadd.s32 $0xFFFFFFFF  }
0x96: {  	s17 =	sld [smem:$0x11];
	(tm) =	ssettm $0x1  }
0x97: {  	s18 =	sld [smem:$0x3FFB];
	_ =	sdelay $0x3  }
0x98: {  	_ =	strace s18  }
0x99: {  	s4 =	sld [smem:$0x3FFC];
	_ =	sdelay $0x3  }
0x9a: {  	_ =	strace s4  }
0x9b: {  	s4 =	sld [smem:$0x3FFD];
	_ =	sdelay $0x3  }
0x9c: {  	_ =	strace s4  }
0x9d: {  	_ =	strace $0x8FFFFFFF  }
0x9e: {  	s19 =	sld [smem:$0x3FDB];
	_ =	sdelay $0x1  }
0x9f: {  	s5 =	simm.s32 $_scs_section_size  }
0xa0: {  	s6 =	simm.s32 $_size__tile_overlayer_lowered;
	s7 =	simm.s32 $_tile_overlayer_lowered  }
0xa1: {  	s22 =	simm.s32 $0x1BFF;
	s21 =	sshll.u32 s7, $0x1;
	s4 =	sadd.s32 s5, s19  }
0xa2: {  	s8 =	simm.s32 $0x0;
	s20 =	sshll.u32 s6, $0x1;
	s6 =	sadd.s32 s21, s4  }
0xa3: {  	[timem:s8], [sflag:s22] =	dma.local [hbm:s6], s20  }
0xa4: {  	_ =	swait.ge [sflag:s22], s20  }
0xa5: {  	s5 =	ssub.s32 $0x0, s20;
	[sflag:s22] =	ssyncset.done $0x0  }
0xa6: {  	[sflag:s22] =	ssyncadd.s32 s5;
	_ =	sdelay $0x1  }
0xa7: {  	s23 =	simm.s32 $0x1B8B  }
0xa8: {  	_ =	swait.ge [sflag:s23], $0x1  }
0xa9: {  	[sflag:s23] =	ssyncset.done $0x0  }
0xaa: {  	s25 =	simm.s32 $0x1B8E;
	s24 =	sld [smem:$0x3FFE];
	[sflag:s23] =	ssyncadd.s32 $0xFFFFFFFF  }
0xab: {  	s26 =	simm.s32 $execute0_lowered;
	[smem:$0x3FD2] =	sst s25  }
0xac: {  	s6 =	sshll.u32 s26, $0x1;
	_ =	strace $0x80000046;
	[dreg:$0x1] =	wrdreg $0xFFFFFFFF  }
0xad: {  	s28 =	simm.s32 $_size_execute0_lowered;
	s4 =	sadd.s32 s4, s6;
	[dreg:$0x0] =	wrdreg $0x0  }
0xae: {  	s6 =	sshll.u32 s28, $0x1;
	[dreg:$0x2] =	wrdreg s4  }
0xaf: {  	[dreg:$0x3] =	wrdreg s6  }
0xb0: {  	[dreg:$0x4] =	wrdreg $0xC0  }
0xb1: {  	_ =	task [dreg:s8], $0x5FFFF  }
0xb2: {  	[dreg:$0x1] =	wrdreg $0xFFFFFFFF  }
0xb3: {  	[dreg:$0x0] =	wrdreg $0x60  }
0xb4: {  	[dreg:$0x2] =	wrdreg s24  }
0xb5: {  	[dreg:$0x3] =	wrdreg s16  }
0xb6: {  	[dreg:$0x4] =	wrdreg s17  }
0xb7: {  	[dreg:$0x5] =	wrdreg $0x9  }
0xb8: {  	_ =	task.clear_ibuf [dreg:s8], $0x6FFFF;
	_ =	strace $0x90000046  }
0xb9: {  	s29 =	simm.s32 $0x9;
	_ =	strace $0x80000048  }
0xba: {  	_ =	swait.ge [sflag:s29], $0x1  }
0xbb: {  	[sflag:s29] =	ssyncadd.s32 $0xFFFFFFFF  }
0xbc: {  	_ =	strace $0x90000048  }
0xbd: {  	_ =	sfence  }
0xbe: {  	s30 =	sld [smem:$0x0];
	_ =	sdelay $0x2  }
0xbf: {  	s31 =	sshll.u32 s1, $0xD;
	s1 =	sshrl.u32 s1, $0x2  }
0xc0: {  	s3 =	sand.u32 $0x4000, s31;
	s1 =	sadd.s32 s1, s30  }
0xc1: {  	s0 =	sor.u32 s3, s0;
	s1 =	sshll.u32 s1, $0x11  }
0xc2: {  	s0 =	sor.u32 s1, s0  }
0xc3: {  	s0 =	sadd.s32 $0x8F2B, s0  }
0xc4: {  	[sflag:s0] =	ssyncadd.remote.s32 $0x1  }
0xc5: {  	_ =	sfence.sel $0xFFFF  }
0xc6: {  	[dreg:$0x0] =	wrdreg $0xFFFFFFFF;
	(pc) =	sbr.abs _section_cstart, $3  }
0xc7: {  	[dreg:$0x1] =	wrdreg $0xFFFFFFFF  }
0xc8: {  	_ =	task.clear_ibuf [dreg:s8], $0x2FFFF;
	_ =	strace $0x9FFFFFFF  }
0xc9: {  	(tm) =	ssettm $0x7FFFFFFF  }
tec
execute0_lowered:
.L_overlay_start_1:
0x0: {  	(tag) =	ssettag $0x1  }
0x1: {  	s0 =	rddreg [dreg:$0x0]  }
0x2: {  	s7 =	rddreg [dreg:$0x2];
	s4 =	simm.s32 $0x0  }
0x3: {  	s1 =	srdreg.scid;
	s2 =	stileid.u32;
	s10 =	simm.s32 $0x1  }
0x4: {  	s11 =	simm.s32 $0x8000;
	s1 =	sand.u32 $0x1, s1;
	s2 =	sshll.u32 s2, $0x1  }
0x5: {  	s12 =	simm.s32 $0x3;
	s2 =	sor.u32 s1, s2;
	s1 =	ssub.s32 $0x2, s1  }
0x6: {  	s13 =	simm.s32 $0x2;
	s5 =	sshrl.u32 s1, $0x1;
	s6 =	sshll.u32 s2, $0x11  }
0x7: {  	[smem:$0x7FF] =	sst s4;
	s1 =	ssub.s32 s1, s5;
	s5 =	sadd.s32 s7, s6  }
0x8: {  	s14 =	simm.s32 $0x0;
	_ =	strace $0x80000047;
	s15 =	sadd.s32 $0x1000, s5  }
0x9: {  	s3 =	sshll.u32 s2, $0x9;
	s16 =	sadd.s32 $0x2000, s5;
	[dreg:$0x4] =	wrdreg s15  }
0xa: {  	s9 =	sshll.u32 s2, $0x2;
	s17 =	sadd.s32 $0x3000, s5;
	[dreg:$0x5] =	wrdreg s16  }
0xb: {  	s0 =	sadd.s32 s3, s0;
	s18 =	sadd.s32 $0x4000, s5;
	[dreg:$0x6] =	wrdreg s17  }
0xc: {  	s19 =	sadd.s32 $0x5000, s5;
	s20 =	sadd.s32 $0x6000, s5;
	[dreg:$0x7] =	wrdreg s18  }
0xd: {  	s21 =	sadd.s32 $0x7000, s5;
	s22 =	sadd.s32 $0x8000, s5;
	[dreg:$0x8] =	wrdreg s19  }
0xe: {  	s23 =	sadd.s32 $0x9000, s5;
	s24 =	sadd.s32 $0xA000, s5;
	[dreg:$0x9] =	wrdreg s20  }
0xf: {  	s25 =	sadd.s32 $0xB000, s5;
	s26 =	sadd.s32 $0xC000, s5;
	[dreg:$0xa] =	wrdreg s21  }
0x10: {  	s28 =	sadd.s32 $0x14000, s5;
	s29 =	sadd.s32 $0x15000, s5;
	[dreg:$0xb] =	wrdreg s22  }
0x11: {  	s30 =	sadd.s32 $0x16000, s5;
	s31 =	sadd.s32 $0x17000, s5;
	[dreg:$0xc] =	wrdreg s23  }
0x12: {  	s2 =	sadd.s32 $0x19000, s5;
	s3 =	sadd.s32 $0x1B000, s5;
	[dreg:$0xd] =	wrdreg s24  }
0x13: {  	v0 =	vlaneseq.u32;
	s6 =	sadd.s32 $0x1C000, s5;
	s7 =	sadd.s32 $0x1D000, s5;
	[dreg:$0xe] =	wrdreg s25  }
0x14: {  	v0 =	vshrl.u32 v0, $0x3;
	v1 =	vmov s9;
	s8 =	sadd.s32 $0x1E000, s5;
	s9 =	sadd.s32 $0x1F000, s5;
	[dreg:$0xf] =	wrdreg s26  }
0x15: {  	v0 =	vmul.u32 $0x800, v0;
	s18 =	sadd.s32 $0xD000, s5;
	s19 =	sadd.s32 $0xE000, s5;
	s20 =	sadd.s32 $0xF000, s5  }
0x16: {  	s21 =	sadd.s32 $0x10000, s5;
	s22 =	sadd.s32 $0x11000, s5;
	s23 =	sadd.s32 $0x800, s0  }
0x17: {  	v2 =	vor.u32 $0x1000, v0;
	v1 =	vshll.u32 v1, $0xB;
	s24 =	smax.u32 s1, $0x1;
	s25 =	sadd.s32 $0x12000, s5;
	s26 =	sadd.s32 $0x13000, s5  }
0x18: {  	s0 =	sadd.s32 $0x18000, s5;
	s1 =	sadd.s32 $0x1A000, s5;
	v0 =	vor.u32 v0, v1;
	v1 =	vor.u32 v2, v1;
	v2 =	vimm.f32 $0.0e+00;
	s17 =	simm.s32 $0x9080  }
.LBB2_1:
0x19: {  	s15 =	simm.s32 $0x0;
	s16 =	simm.s32 $0x200  }
.LBB2_2:
0x1a: {  	p0 =	sne.s32 s16, $0x1FE00;
	[tilespmem:s15+$0x70] =	vst v2  }
0x1b: {  	[tilespmem:s15+$0x0] =	vst v2  }
0x1c: {  	[tilespmem:s15+$0x10] =	vst v2  }
.Ltmp0:
0x1d: {  	[tilespmem:s15+$0x20] =	vst v2;
	(pc) =	sbr.rel @p0 .LBB2_2-.Ltmp0, $4  }
0x1e: {  	[tilespmem:s15+$0x30] =	vst v2  }
0x1f: {  	[tilespmem:s15+$0x40] =	vst v2  }
0x20: {  	[tilespmem:s15+$0x50] =	vst v2  }
0x21: {  	[tilespmem:s15+$0x60] =	vst v2;
	s15 =	sshra.s32 s16, $0x2;
	s16 =	sadd.s32 $0x200, s16  }
0x22: {  	[tilespmem:s15+$0x70] =	vst v2  }
0x23: {  	[tilespmem:s15+$0x0] =	vst v2  }
0x24: {  	[tilespmem:s15+$0x10] =	vst v2  }
0x25: {  	[tilespmem:s15+$0x20] =	vst v2  }
0x26: {  	[tilespmem:s15+$0x30] =	vst v2  }
0x27: {  	[tilespmem:s15+$0x40] =	vst v2  }
0x28: {  	[tilespmem:s15+$0x50] =	vst v2  }
0x29: {  	[tilespmem:s15+$0x60] =	vst v2  }
0x2a: {  	[hbm4b:s5+s4] =	stream.linear.scatter [tilespmem:s4], [sflag:$0x1], $0x8000, $0x38;
	[tilespmem:$0x9100] =	vst v63  }
0x2b: {  	s16 =	rddreg [dreg:$0x4]  }
0x2c: {  	[hbm4b:s16+s4] =	stream.linear.scatter [tilespmem:s4], [sflag:$0x1], $0x8000, $0x38;
	[tilespmem:$0x9100] =	vst v63  }
0x2d: {  	s16 =	rddreg [dreg:$0x5]  }
0x2e: {  	[hbm4b:s16+s4] =	stream.linear.scatter [tilespmem:s4], [sflag:$0x1], $0x8000, $0x38;
	[tilespmem:$0x9100] =	vst v63  }
0x2f: {  	s16 =	rddreg [dreg:$0x6]  }
0x30: {  	[hbm4b:s16+s4] =	stream.linear.scatter [tilespmem:s4], [sflag:$0x1], $0x8000, $0x38;
	[tilespmem:$0x9100] =	vst v63  }
0x31: {  	s16 =	rddreg [dreg:$0x7]  }
0x32: {  	[hbm4b:s16+s4] =	stream.linear.scatter [tilespmem:s4], [sflag:$0x1], $0x8000, $0x38;
	[tilespmem:$0x9100] =	vst v63  }
0x33: {  	s16 =	rddreg [dreg:$0x8]  }
0x34: {  	[hbm4b:s16+s4] =	stream.linear.scatter [tilespmem:s4], [sflag:$0x1], $0x8000, $0x38;
	[tilespmem:$0x9100] =	vst v63  }
0x35: {  	s16 =	rddreg [dreg:$0x9]  }
0x36: {  	[hbm4b:s16+s4] =	stream.linear.scatter [tilespmem:s4], [sflag:$0x1], $0x8000, $0x38;
	[tilespmem:$0x9100] =	vst v63  }
0x37: {  	s16 =	rddreg [dreg:$0xa]  }
0x38: {  	[hbm4b:s16+s4] =	stream.linear.scatter [tilespmem:s4], [sflag:$0x1], $0x8000, $0x38;
	[tilespmem:$0x9100] =	vst v63  }
0x39: {  	s16 =	rddreg [dreg:$0xb]  }
0x3a: {  	[hbm4b:s16+s4] =	stream.linear.scatter [tilespmem:s4], [sflag:$0x1], $0x8000, $0x38;
	[tilespmem:$0x9100] =	vst v63  }
0x3b: {  	_ =	swait.ge [sflag:s10], $0x8000  }
0x3c: {  	[sflag:s10] =	ssyncset.done $0x0  }
0x3d: {  	s16 =	rddreg [dreg:$0xc];
	[sflag:s10] =	ssyncadd.s32 $0xFFFF8000  }
0x3e: {  	[hbm4b:s16+s4] =	stream.linear.scatter [tilespmem:s4], [sflag:$0x1], $0x8000, $0x38;
	[tilespmem:$0x9100] =	vst v63  }
0x3f: {  	_ =	swait.ge [sflag:s10], $0x8000  }
0x40: {  	[sflag:s10] =	ssyncset.done $0x0  }
0x41: {  	s16 =	rddreg [dreg:$0xd];
	[sflag:s10] =	ssyncadd.s32 $0xFFFF8000  }
0x42: {  	[hbm4b:s16+s4] =	stream.linear.scatter [tilespmem:s4], [sflag:$0x1], $0x8000, $0x38;
	[tilespmem:$0x9100] =	vst v63  }
0x43: {  	_ =	swait.ge [sflag:s10], $0x8000  }
0x44: {  	[sflag:s10] =	ssyncset.done $0x0  }
0x45: {  	s16 =	rddreg [dreg:$0xe];
	[sflag:s10] =	ssyncadd.s32 $0xFFFF8000  }
0x46: {  	[hbm4b:s16+s4] =	stream.linear.scatter [tilespmem:s4], [sflag:$0x1], $0x8000, $0x38;
	[tilespmem:$0x9100] =	vst v63  }
0x47: {  	_ =	swait.ge [sflag:s10], $0x8000  }
0x48: {  	[sflag:s10] =	ssyncset.done $0x0  }
0x49: {  	s16 =	rddreg [dreg:$0xf];
	[sflag:s10] =	ssyncadd.s32 $0xFFFF8000  }
0x4a: {  	[hbm4b:s16+s4] =	stream.linear.scatter [tilespmem:s4], [sflag:$0x1], $0x8000, $0x38;
	[tilespmem:$0x9100] =	vst v63  }
0x4b: {  	_ =	swait.ge [sflag:s10], $0x8000  }
0x4c: {  	[sflag:s10] =	ssyncset.done $0x0  }
0x4d: {  	[sflag:s10] =	ssyncadd.s32 $0xFFFF8000  }
0x4e: {  	[hbm4b:s18+s4] =	stream.linear.scatter [tilespmem:s4], [sflag:$0x1], $0x8000, $0x38;
	[tilespmem:$0x9100] =	vst v63  }
0x4f: {  	_ =	swait.ge [sflag:s10], $0x8000  }
0x50: {  	[sflag:s10] =	ssyncset.done $0x0  }
0x51: {  	[sflag:s10] =	ssyncadd.s32 $0xFFFF8000  }
0x52: {  	[hbm4b:s19+s4] =	stream.linear.scatter [tilespmem:s4], [sflag:$0x1], $0x8000, $0x38;
	[tilespmem:$0x9100] =	vst v63  }
0x53: {  	_ =	swait.ge [sflag:s10], $0x8000  }
0x54: {  	[sflag:s10] =	ssyncset.done $0x0  }
0x55: {  	[sflag:s10] =	ssyncadd.s32 $0xFFFF8000  }
0x56: {  	[hbm4b:s20+s4] =	stream.linear.scatter [tilespmem:s4], [sflag:$0x1], $0x8000, $0x38;
	[tilespmem:$0x9100] =	vst v63  }
0x57: {  	_ =	swait.ge [sflag:s10], $0x8000  }
0x58: {  	[sflag:s10] =	ssyncset.done $0x0  }
0x59: {  	[sflag:s10] =	ssyncadd.s32 $0xFFFF8000  }
0x5a: {  	[hbm4b:s21+s4] =	stream.linear.scatter [tilespmem:s4], [sflag:$0x1], $0x8000, $0x38;
	[tilespmem:$0x9100] =	vst v63  }
0x5b: {  	_ =	swait.ge [sflag:s10], $0x8000  }
0x5c: {  	[sflag:s10] =	ssyncset.done $0x0  }
0x5d: {  	[sflag:s10] =	ssyncadd.s32 $0xFFFF8000  }
0x5e: {  	[hbm4b:s22+s4] =	stream.linear.scatter [tilespmem:s4], [sflag:$0x1], $0x8000, $0x38;
	[tilespmem:$0x9100] =	vst v63  }
0x5f: {  	_ =	swait.ge [sflag:s10], $0x8000  }
0x60: {  	[sflag:s10] =	ssyncset.done $0x0  }
0x61: {  	[sflag:s10] =	ssyncadd.s32 $0xFFFF8000  }
0x62: {  	[hbm4b:s25+s4] =	stream.linear.scatter [tilespmem:s4], [sflag:$0x1], $0x8000, $0x38;
	[tilespmem:$0x9100] =	vst v63  }
0x63: {  	_ =	swait.ge [sflag:s10], $0x8000  }
0x64: {  	[sflag:s10] =	ssyncset.done $0x0  }
0x65: {  	[sflag:s10] =	ssyncadd.s32 $0xFFFF8000  }
0x66: {  	[hbm4b:s26+s4] =	stream.linear.scatter [tilespmem:s4], [sflag:$0x1], $0x8000, $0x38;
	[tilespmem:$0x9100] =	vst v63  }
0x67: {  	_ =	swait.ge [sflag:s10], $0x8000  }
0x68: {  	[sflag:s10] =	ssyncset.done $0x0  }
0x69: {  	[sflag:s10] =	ssyncadd.s32 $0xFFFF8000  }
0x6a: {  	[hbm4b:s28+s4] =	stream.linear.scatter [tilespmem:s4], [sflag:$0x1], $0x8000, $0x38;
	[tilespmem:$0x9100] =	vst v63  }
0x6b: {  	_ =	swait.ge [sflag:s10], $0x8000  }
0x6c: {  	[sflag:s10] =	ssyncset.done $0x0  }
0x6d: {  	[sflag:s10] =	ssyncadd.s32 $0xFFFF8000  }
0x6e: {  	[hbm4b:s29+s4] =	stream.linear.scatter [tilespmem:s4], [sflag:$0x1], $0x8000, $0x38;
	[tilespmem:$0x9100] =	vst v63  }
0x6f: {  	_ =	swait.ge [sflag:s10], $0x8000  }
0x70: {  	[sflag:s10] =	ssyncset.done $0x0  }
0x71: {  	[sflag:s10] =	ssyncadd.s32 $0xFFFF8000  }
0x72: {  	[hbm4b:s30+s4] =	stream.linear.scatter [tilespmem:s4], [sflag:$0x1], $0x8000, $0x38;
	[tilespmem:$0x9100] =	vst v63  }
0x73: {  	_ =	swait.ge [sflag:s10], $0x8000  }
0x74: {  	[sflag:s10] =	ssyncset.done $0x0  }
0x75: {  	[sflag:s10] =	ssyncadd.s32 $0xFFFF8000  }
0x76: {  	[hbm4b:s31+s4] =	stream.linear.scatter [tilespmem:s4], [sflag:$0x1], $0x8000, $0x38;
	[tilespmem:$0x9100] =	vst v63  }
0x77: {  	_ =	swait.ge [sflag:s10], $0x8000  }
0x78: {  	[sflag:s10] =	ssyncset.done $0x0  }
0x79: {  	[sflag:s10] =	ssyncadd.s32 $0xFFFF8000  }
0x7a: {  	[hbm4b:s0+s4] =	stream.linear.scatter [tilespmem:s4], [sflag:$0x1], $0x8000, $0x38;
	[tilespmem:$0x9100] =	vst v63  }
0x7b: {  	_ =	swait.ge [sflag:s10], $0x8000  }
0x7c: {  	[sflag:s10] =	ssyncset.done $0x0  }
0x7d: {  	[sflag:s10] =	ssyncadd.s32 $0xFFFF8000  }
0x7e: {  	[hbm4b:s2+s4] =	stream.linear.scatter [tilespmem:s4], [sflag:$0x1], $0x8000, $0x38;
	[tilespmem:$0x9100] =	vst v63  }
0x7f: {  	_ =	swait.ge [sflag:s10], $0x8000  }
0x80: {  	[sflag:s10] =	ssyncset.done $0x0  }
0x81: {  	[sflag:s10] =	ssyncadd.s32 $0xFFFF8000  }
0x82: {  	[hbm4b:s1+s4] =	stream.linear.scatter [tilespmem:s4], [sflag:$0x1], $0x8000, $0x38;
	[tilespmem:$0x9100] =	vst v63  }
0x83: {  	_ =	swait.ge [sflag:s10], $0x8000  }
0x84: {  	[sflag:s10] =	ssyncset.done $0x0  }
0x85: {  	[sflag:s10] =	ssyncadd.s32 $0xFFFF8000  }
0x86: {  	[hbm4b:s3+s4] =	stream.linear.scatter [tilespmem:s4], [sflag:$0x1], $0x8000, $0x38;
	[tilespmem:$0x9100] =	vst v63  }
0x87: {  	_ =	swait.ge [sflag:s10], $0x8000  }
0x88: {  	[sflag:s10] =	ssyncset.done $0x0  }
0x89: {  	[sflag:s10] =	ssyncadd.s32 $0xFFFF8000  }
0x8a: {  	[hbm4b:s6+s4] =	stream.linear.scatter [tilespmem:s4], [sflag:$0x1], $0x8000, $0x38;
	[tilespmem:$0x9100] =	vst v63  }
0x8b: {  	_ =	swait.ge [sflag:s10], $0x8000  }
0x8c: {  	[sflag:s10] =	ssyncset.done $0x0  }
0x8d: {  	[sflag:s10] =	ssyncadd.s32 $0xFFFF8000  }
0x8e: {  	[hbm4b:s7+s4] =	stream.linear.scatter [tilespmem:s4], [sflag:$0x1], $0x8000, $0x38;
	[tilespmem:$0x9100] =	vst v63  }
0x8f: {  	_ =	swait.ge [sflag:s10], $0x8000  }
0x90: {  	[sflag:s10] =	ssyncset.done $0x0  }
0x91: {  	[sflag:s10] =	ssyncadd.s32 $0xFFFF8000  }
0x92: {  	[hbm4b:s8+s4] =	stream.linear.scatter [tilespmem:s4], [sflag:$0x1], $0x8000, $0x38;
	[tilespmem:$0x9100] =	vst v63  }
0x93: {  	_ =	swait.ge [sflag:s10], $0x8000  }
0x94: {  	[sflag:s10] =	ssyncset.done $0x0  }
0x95: {  	[sflag:s10] =	ssyncadd.s32 $0xFFFF8000  }
0x96: {  	[hbm4b:s9+s4] =	stream.linear.scatter [tilespmem:s4], [sflag:$0x1], $0x8000, $0x38;
	[tilespmem:$0x9100] =	vst v63  }
0x97: {  	_ =	swait.ge [sflag:s10], $0x8000  }
0x98: {  	[sflag:s10] =	ssyncset.done $0x0  }
0x99: {  	[sflag:s10] =	ssyncadd.s32 $0xFFFF8000  }
0x9a: {  	[tilespmem:s11], [sflag:$0x3] =	stream.linear.gather [hbm4b:s23+s4], $0x1000, $0x38;
	[tilespmem:$0x9100] =	vst v63  }
0x9b: {  	_ =	swait.ge [sflag:s12], $0x1000  }
0x9c: {  	[sflag:s12] =	ssyncset.done $0x0  }
0x9d: {  	[sflag:s12] =	ssyncadd.s32 $0xFFFFF000  }
0x9e: {  	s16 =	simm.s32 $0x9000;
	s15 =	rddreg [dreg:$0x1]  }
0x9f: {  	[tilespmem:s16], [sflag:$0x3] =	stream.linear.gather [hbm4b:s15+s4], $0x80, $0x38;
	[tilespmem:$0x9100] =	vst v63  }
0xa0: {  	_ =	swait.ge [sflag:s12], $0x80  }
0xa1: {  	[sflag:s12] =	ssyncset.done $0x0  }
0xa2: {  	[sflag:s12] =	ssyncadd.s32 $0xFFFFFF80  }
0xa3: {  	v3 =	vld [tilespmem:$0x9000];
	_ =	sdelay $0x4  }
0xa4: {  	v4 =	vadd.s32 v0, v3  }
0xa5: {  	v3 =	vadd.s32 v1, v3;
	[tilespmem:$0x9080] =	vst v4  }
0xa6: {  	[tilespmem:$0x9090] =	vst v3  }
0xa7: {  	_ =	swait.ge [sflag:s10], $0x8000  }
0xa8: {  	[sflag:s10] =	ssyncset.done $0x0  }
0xa9: {  	[sflag:s10] =	ssyncadd.s32 $0xFFFF8000  }
0xaa: {  	_ =	swait.ge [sflag:s10], $0x8000  }
0xab: {  	[sflag:s10] =	ssyncset.done $0x0  }
0xac: {  	[sflag:s10] =	ssyncadd.s32 $0xFFFF8000  }
0xad: {  	_ =	swait.ge [sflag:s10], $0x8000  }
0xae: {  	[sflag:s10] =	ssyncset.done $0x0  }
0xaf: {  	[sflag:s10] =	ssyncadd.s32 $0xFFFF8000  }
0xb0: {  	_ =	swait.ge [sflag:s10], $0x8000  }
0xb1: {  	[sflag:s10] =	ssyncset.done $0x0  }
0xb2: {  	[sflag:s10] =	ssyncadd.s32 $0xFFFF8000  }
0xb3: {  	_ =	swait.ge [sflag:s10], $0x8000  }
0xb4: {  	[sflag:s10] =	ssyncset.done $0x0  }
0xb5: {  	[sflag:s10] =	ssyncadd.s32 $0xFFFF8000  }
0xb6: {  	_ =	swait.ge [sflag:s10], $0x8000  }
0xb7: {  	[sflag:s10] =	ssyncset.done $0x0  }
0xb8: {  	[sflag:s10] =	ssyncadd.s32 $0xFFFF8000  }
0xb9: {  	_ =	swait.ge [sflag:s10], $0x8000  }
0xba: {  	[sflag:s10] =	ssyncset.done $0x0  }
0xbb: {  	[sflag:s10] =	ssyncadd.s32 $0xFFFF8000  }
0xbc: {  	_ =	swait.ge [sflag:s10], $0x8000  }
0xbd: {  	s14 =	sadd.s32 $0x1, s14;
	[sflag:s10] =	ssyncset.done $0x0  }
0xbe: {  	p0 =	sne.s32 s14, s24;
	[sflag:s10] =	ssyncadd.s32 $0xFFFF8000  }
.Ltmp1:
0xbf: {  	s16 =	simm.s32 $0x20;
	s15 =	rddreg [dreg:$0x2];
	(pc) =	sbr.rel @p0 .LBB2_1-.Ltmp1, $4  }
0xc0: {  	[hbm4b:s15+s16] =	stream.indirect.scatter [tilespmem:s11], [sflag:$0x2], $0x80, s17, s16, $0xb8;
	[tilespmem:$0x9100] =	vst v63  }
0xc1: {  	_ =	swait.ge [sflag:s13], $0x1000  }
0xc2: {  	[sflag:s13] =	ssyncset.done $0x0  }
0xc3: {  	[sflag:s13] =	ssyncadd.s32 $0xFFFFF000  }
0xc4: {  	_ =	sfence.sel $0x180000  }
0xc5: {  	[bflag:$0x0] =	sbarrier.arrive $0xFFFF  }
0xc6: {  	_ =	strace $0x90000047  }
0xc7: {  	s0 =	stileid.u32;
	[bflag:$0x2] =	sbarrier.arrive $0xFFFF  }
0xc8: {  	p0 =	sne.s32 s0, $0x0;
	s0 =	rddreg [dreg:$0x3]  }
0xc9: {  	s0 =	sadd.s32 @!p0 $0x100000, s0  }
0xca: {  	[sflag:s0] =	ssyncadd.tile.s32 @!p0 $0x1;
	_ =	shalt  }
.Lfunc_end2:
_tile_overlayer_lowered:
.L_overlay_start_2:
0xcb: {  	(tag) =	ssettag $0x2  }
0xcc: {  	s0 =	rddreg [dreg:$0x0];
	s2 =	stileid.u32  }
0xcd: {  	s1 =	rddreg [dreg:$0x1];
	p0 =	sne.s32 s2, $0x0  }
0xce: {  	s3 =	rddreg [dreg:$0x2];
	[bflag:$0x3] =	sbarrier.arrive $0xFFFF;
	s2 =	simm.s32 @!p0 $0x1C03  }
0xcf: {  	[timem:s3], [sflag:s2] =	dma.local @!p0 [hbm:s0], s1  }
0xd0: {  	s0 =	simm.s32 @!p0 $0x3  }
0xd1: {  	_ =	swait.ge @!p0 [sflag:s0], s1  }
0xd2: {  	s1 =	ssub.s32 @!p0 $0x0, s1;
	[sflag:s0] =	ssyncset.done @!p0 $0x0  }
0xd3: {  	[sflag:s0] =	ssyncadd.s32 @!p0 s1  }
0xd4: {  	[bflag:$0x3] =	sbarrier.arrive $0xFFFF  }
0xd5: {  	_ =	shalt  }

</sc_bundles>
